<compile_context>
chip_gen: v7x
topology: tpu7x:2x2x1
jax: 0.10.2.dev20260603
libtpu: 0.0.44.dev20260713+nightly
codegen_flags: <defaults>
</compile_context>

<pallas_src>
import functools

import jax
import jax.numpy as jnp
from jax import lax
from jax.experimental import pallas as pl
from jax.experimental.pallas import tpu as pltpu
import jax.experimental.pallas.tpu_sc as plsc

E_TOTAL = 160000
FDIM = 256
NPROBE_OUT = 10000

NCORE = 2
NSUB = 16
NWORK = NCORE * NSUB
CHUNK = 128
ACC = 10240
SLICE = ACC // NSUB

BLK = 2048
BROWS = BLK // CHUNK
NMAIN = E_TOTAL // BLK
NA = 39
E_HALF = NA * BLK
E_MAIN = NMAIN * BLK
TAIL = E_TOTAL - E_MAIN
TPAD = 4096
TROWS = TPAD // CHUNK


def _mlp_compute(x, wall, b1, i1, b2, i2, b3, i3, wo, bo):
    for k, (b_ref, idt_ref) in enumerate(((b1, i1), (b2, i2), (b3, i3))):
        hh = jnp.dot(x, wall[k * FDIM:(k + 1) * FDIM],
                     preferred_element_type=jnp.float32)
        hh = hh + b_ref[...] * 0.5
        q = hh * idt_ref[...]
        x = x + q + q * jnp.tanh(hh)
    s_wide = jnp.dot(x, wo[...], preferred_element_type=jnp.float32)
    n = x.shape[0] // CHUNK
    s3 = s_wide.reshape(n, CHUNK, CHUNK)
    sub = lax.broadcasted_iota(jnp.int32, (n, CHUNK, CHUNK), 1)
    lane = lax.broadcasted_iota(jnp.int32, (n, CHUNK, CHUNK), 2)
    return jnp.sum(jnp.where(sub == lane, s3, 0.0), axis=1) + bo[0, 0]


def _mlp_body(x_ref, ew_ref, wall, b1, i1, b2, i2, b3, i3, wo, bo, out_ref):
    s2 = _mlp_compute(x_ref[...], wall, b1, i1, b2, i2, b3, i3, wo, bo)
    out_ref[...] = s2 * ew_ref[...]


def _tail_body(x_ref, ew_ref, wall, b1, i1, b2, i2, b3, i3, wo, bo, out_ref):
    s2 = _mlp_compute(x_ref[...], wall, b1, i1, b2, i2, b3, i3, wo, bo)
    s2 = s2 * ew_ref[0:TAIL // CHUNK]
    out_ref[...] = jnp.concatenate(
        [s2, jnp.zeros((TROWS - TAIL // CHUNK, CHUNK), jnp.float32)], axis=0)


def _edge_mlp(ef, ew2d, *wargs):
    full2 = lambda shape: pl.BlockSpec(shape, lambda i: (0, 0))
    row = full2((1, FDIM))
    wspecs = [
        full2((3 * FDIM, FDIM)), row, row, row, row, row, row,
        full2((FDIM, CHUNK)), full2((1, 1)),
    ]

    def half(off):
        return pl.pallas_call(
            _mlp_body,
            grid=(NA,),
            in_specs=[
                pl.BlockSpec((BLK, FDIM), lambda i: (i + off, 0)),
                pl.BlockSpec((BROWS, CHUNK), lambda i: (i + off, 0)),
            ] + wspecs,
            out_specs=pl.BlockSpec((BROWS, CHUNK), lambda i: (i, 0)),
            out_shape=jax.ShapeDtypeStruct((E_HALF // CHUNK, CHUNK),
                                           jnp.float32),
        )(ef, ew2d, *wargs)

    main_a = half(0)
    main_b = half(NA)
    tail = pl.pallas_call(
        _tail_body,
        grid=(1,),
        in_specs=[
            pl.BlockSpec((TAIL, FDIM), lambda i: (E_MAIN // TAIL, 0)),
            pl.BlockSpec((TROWS, CHUNK), lambda i: (E_MAIN // CHUNK // TROWS,
                                                    0)),
        ] + wspecs,
        out_specs=pl.BlockSpec((TROWS, CHUNK), lambda i: (0, 0)),
        out_shape=jax.ShapeDtypeStruct((TROWS, CHUNK), jnp.float32),
    )(ef, ew2d, *wargs)
    return main_a, main_b, tail


@functools.cache
def _make_scatter(segs):
    per = sum(c for _, c in segs)
    mesh = plsc.VectorSubcoreMesh(
        core_axis_name="c", subcore_axis_name="s", num_cores=NCORE)

    @functools.partial(
        pl.kernel,
        out_type=jax.ShapeDtypeStruct((NCORE * ACC,), jnp.float32),
        mesh=mesh,
        scratch_types=[
            pltpu.VMEM((per,), jnp.int32),
            pltpu.VMEM((per,), jnp.float32),
            pltpu.VMEM((SLICE,), jnp.float32),
            pltpu.VMEM_SHARED((ACC,), jnp.float32),
            pltpu.SemaphoreType.DMA,
        ],
    )
    def scatter(*args):
        ops = args[:2 * len(segs)]
        out_hbm, idx_v, val_v, zbuf, acc_sh, stage_sem = args[2 * len(segs):]
        cid = lax.axis_index("c")
        sid = lax.axis_index("s")
        wid = sid * NCORE + cid
        copies = []
        off = 0
        for k, (goff, cnt) in enumerate(segs):
            dst = pl.ds(off, cnt)
            copies.append(pltpu.async_copy(
                ops[2 * k].at[pl.ds(goff + wid * cnt, cnt)], idx_v.at[dst],
                stage_sem))
            copies.append(pltpu.async_copy(
                ops[2 * k + 1].at[pl.ds(wid * cnt, cnt)], val_v.at[dst],
                stage_sem))
            off += cnt
        def zbody(i, c):
            zbuf[pl.ds(i * 16, 16)] = jnp.zeros((16,), jnp.float32)
            return c
        lax.fori_loop(0, SLICE // 16, zbody, 0)
        pltpu.sync_copy(zbuf, acc_sh.at[pl.ds(sid * SLICE, SLICE)])
        for c in copies:
            c.wait()
        plsc.subcore_barrier()
        pltpu.sync_copy(val_v, acc_sh.at[idx_v], add=True)
        plsc.subcore_barrier()
        pltpu.sync_copy(acc_sh.at[pl.ds(sid * SLICE, SLICE)],
                        out_hbm.at[pl.ds(cid * ACC + sid * SLICE, SLICE)])

    return scatter


def kernel(edge_features, node_probe, edge_weight, nprobe,
           W1, b1, idt1, W2, b2, idt2, W3, b3, idt3, Wout, bout):
    row = lambda v: v.reshape(1, FDIM)
    ew2d = jnp.pad(edge_weight[:, 0],
                   (0, E_MAIN + TPAD - E_TOTAL)).reshape(-1, CHUNK)
    wall = 0.5 * jnp.concatenate([W1, W2, W3], axis=0)
    main_a, main_b, tail = _edge_mlp(
        edge_features, ew2d, wall,
        row(b1), row(idt1), row(b2), row(idt2), row(b3), row(idt3),
        jnp.tile(Wout, (1, CHUNK)), bout.reshape(1, 1))
    idx_t = jnp.pad(node_probe[E_MAIN:], (0, TPAD - TAIL))
    acc_a = _make_scatter(((0, E_HALF // NWORK),))(
        node_probe, main_a.reshape(E_HALF))
    acc_b = _make_scatter(((E_HALF, E_HALF // NWORK),
                           (0, TPAD // NWORK)))(
        node_probe, main_b.reshape(E_HALF), idx_t, tail.reshape(TPAD))
    acc = (acc_a[:ACC] + acc_a[ACC:]) + (acc_b[:ACC] + acc_b[ACC:])
    return acc[:NPROBE_OUT]

# --- scband reference (transcript-rebuilt; emitter-appended) ---
"""Pipeline reference for scband-charge-head-11819749998874 (READ-ONLY COPY).

The authoritative reference and input builder live on the scoring server;
editing this copy changes nothing except your own understanding.
"""

import jax, jax.numpy as jnp
import numpy as np

E = 160000
EDGE_DIM = 256
NPROBE = 10000
HIDDEN = [256, 256, 256]


def setup_inputs(seed: int = 0) -> dict:
    key = jax.random.key(seed)
    ks = jax.random.split(key, 16)
    inp = {}
    inp['edge_features'] = jax.random.normal(ks[0], (E, EDGE_DIM), dtype=jnp.float32)
    inp['node_probe'] = jnp.sort(jax.random.randint(ks[1], (E,), 0, NPROBE, dtype=jnp.int32))
    inp['edge_weight'] = jax.random.uniform(ks[2], (E, 1), dtype=jnp.float32)
    inp['nprobe'] = NPROBE
    # FullyConnected params: neuron = [256] + [256,256,256] + [1]
    dims = [EDGE_DIM] + HIDDEN + [1]
    kidx = 3
    for i in range(len(HIDDEN)):
        fan_in = dims[i]
        inp[f'W{i+1}'] = jax.random.normal(ks[kidx], (dims[i], dims[i+1]), dtype=jnp.float32) / np.sqrt(fan_in); kidx += 1
        inp[f'b{i+1}'] = jnp.zeros((dims[i+1],), dtype=jnp.float32)
        inp[f'idt{i+1}'] = jnp.full((dims[i+1],), 0.1, dtype=jnp.float32) + 0.001 * jax.random.normal(ks[kidx], (dims[i+1],), dtype=jnp.float32); kidx += 1
    inp['Wout'] = jax.random.normal(ks[kidx], (dims[-2], dims[-1]), dtype=jnp.float32) / np.sqrt(dims[-2]); kidx += 1
    inp['bout'] = jnp.zeros((dims[-1],), dtype=jnp.float32)
    return inp


def _charge_net(x, W1, b1, idt1, W2, b2, idt2, W3, b3, idt3, Wout, bout):
    # hidden layers: SiLU activation, idt (learnable timestep scale), resnet residual
    for (W, b, idt) in ((W1, b1, idt1), (W2, b2, idt2), (W3, b3, idt3)):
        h = jax.nn.silu(x @ W + b) * idt
        x = h + x  # resnet: in==out for all hidden layers
    # final linear layer to scalar charge (no activation / resnet)
    return x @ Wout + bout


def reference(edge_features, node_probe, edge_weight, nprobe, W1, b1, idt1, W2, b2, idt2, W3, b3, idt3, Wout, bout):
    edge_scalars = _charge_net(edge_features, W1, b1, idt1, W2, b2, idt2, W3, b3, idt3, Wout, bout)
    # Scalar2Charge is identity
    edge_charges = edge_scalars
    edge_weighted = edge_charges * edge_weight  # [E, 1]
    probe_charges = jax.ops.segment_sum(edge_weighted, node_probe, num_segments=NPROBE)  # [nprobe, 1]
    probe_charge = probe_charges[:, 0]  # spin=False branch
    probe_charge = probe_charge + jnp.zeros_like(probe_charge) * jnp.asarray(nprobe, dtype=probe_charge.dtype)
    return probe_charge

if __name__ == "__main__":
    import jax
    _d = setup_inputs()
    print(jax.jit(kernel)(*tuple(_d.values())))

</pallas_src>

<mosaic_0001>
#map = affine_map<(d0, d1) -> (0)>
module attributes {stable_mosaic.version = 14 : i64} {
  func.func @scatter(%arg0: i32, %arg1: i32, %arg2: memref<160000xi32, #tpu.memory_space<hbm>>, %arg3: memref<79872xf32, #tpu.memory_space<hbm>>, %arg4: memref<4096xi32, #tpu.memory_space<hbm>>, %arg5: memref<4096xf32, #tpu.memory_space<hbm>>, %arg6: memref<20480xf32, #tpu.memory_space<hbm>>, %arg7: memref<2624xi32, #tpu.memory_space<vmem>>, %arg8: memref<2624xf32, #tpu.memory_space<vmem>>, %arg9: memref<640xf32, #tpu.memory_space<vmem>>, %arg10: memref<10240xf32, #tpu.memory_space<vmem_shared>>, %arg11: memref<!tpu.dma_semaphore, #tpu.memory_space<semaphore_mem>>) attributes {dimension_semantics = [#tpu.dimension_semantics<core_parallel>, #tpu.dimension_semantics<subcore_parallel>], iteration_bounds = array<i64: 2, 16>, scalar_prefetch = 0 : i64, scratch_operands = 5 : i64, tpu.core_type = #tpu.core_type<sc_vector_subcore>, window_params = [{transform_indices = #map}, {transform_indices = #map}, {transform_indices = #map}, {transform_indices = #map}, {transform_indices = #map}]} {
    %mul3A = arith.constant 2 : i32
    %mul3A_0 = arith.muli %arg1, %mul3A : i32
    %add3A = arith.addi %mul3A_0, %arg0 : i32
    %mul3A_1 = arith.constant 2496 : i32
    %mul3A_2 = arith.muli %add3A, %mul3A_1 : i32
    %add3A_3 = arith.constant 79872 : i32
    %add3A_4 = arith.addi %add3A_3, %mul3A_2 : i32
    %dma_start3A = arith.constant 0 : i32
    %dma_start3A_5 = tpu.memref_slice %arg7[%dma_start3A] : memref<2624xi32, #tpu.memory_space<vmem>> -> memref<2496xi32, #tpu.memory_space<vmem>>
    %dma_start3A_6 = tpu.memref_slice %arg2[%add3A_4] : memref<160000xi32, #tpu.memory_space<hbm>> -> memref<2496xi32, #tpu.memory_space<hbm>>
    %dma_start3A_7 = arith.constant 0 : i32
    %dma_start3A_8 = tpu.memref_slice %arg7[%dma_start3A_7] : memref<2624xi32, #tpu.memory_space<vmem>> -> memref<2496xi32, #tpu.memory_space<vmem>>
    %dma_start3A_9 = tpu.memref_slice %arg2[%add3A_4] : memref<160000xi32, #tpu.memory_space<hbm>> -> memref<2496xi32, #tpu.memory_space<hbm>>
    tpu.enqueue_dma source(%dma_start3A_9 : memref<2496xi32, #tpu.memory_space<hbm>>) target(%dma_start3A_8 : memref<2496xi32, #tpu.memory_space<vmem>>) target_semaphore(%arg11 : memref<!tpu.dma_semaphore, #tpu.memory_space<semaphore_mem>>)
    %mul3A_10 = arith.constant 2496 : i32
    %mul3A_11 = arith.muli %add3A, %mul3A_10 : i32
    %dma_start3A_12 = arith.constant 0 : i32
    %dma_start3A_13 = tpu.memref_slice %arg8[%dma_start3A_12] : memref<2624xf32, #tpu.memory_space<vmem>> -> memref<2496xf32, #tpu.memory_space<vmem>>
    %dma_start3A_14 = tpu.memref_slice %arg3[%mul3A_11] : memref<79872xf32, #tpu.memory_space<hbm>> -> memref<2496xf32, #tpu.memory_space<hbm>>
    %dma_start3A_15 = arith.constant 0 : i32
    %dma_start3A_16 = tpu.memref_slice %arg8[%dma_start3A_15] : memref<2624xf32, #tpu.memory_space<vmem>> -> memref<2496xf32, #tpu.memory_space<vmem>>
    %dma_start3A_17 = tpu.memref_slice %arg3[%mul3A_11] : memref<79872xf32, #tpu.memory_space<hbm>> -> memref<2496xf32, #tpu.memory_space<hbm>>
    tpu.enqueue_dma source(%dma_start3A_17 : memref<2496xf32, #tpu.memory_space<hbm>>) target(%dma_start3A_16 : memref<2496xf32, #tpu.memory_space<vmem>>) target_semaphore(%arg11 : memref<!tpu.dma_semaphore, #tpu.memory_space<semaphore_mem>>)
    %mul3A_18 = arith.constant 128 : i32
    %mul3A_19 = arith.muli %add3A, %mul3A_18 : i32
    %add3A_20 = arith.constant 0 : i32
    %add3A_21 = arith.addi %add3A_20, %mul3A_19 : i32
    %dma_start3A_22 = arith.constant 2496 : i32
    %dma_start3A_23 = tpu.memref_slice %arg7[%dma_start3A_22] : memref<2624xi32, #tpu.memory_space<vmem>> -> memref<128xi32, #tpu.memory_space<vmem>>
    %dma_start3A_24 = tpu.memref_slice %arg4[%add3A_21] : memref<4096xi32, #tpu.memory_space<hbm>> -> memref<128xi32, #tpu.memory_space<hbm>>
    %dma_start3A_25 = arith.constant 2496 : i32
    %dma_start3A_26 = tpu.memref_slice %arg7[%dma_start3A_25] : memref<2624xi32, #tpu.memory_space<vmem>> -> memref<128xi32, #tpu.memory_space<vmem>>
    %dma_start3A_27 = tpu.memref_slice %arg4[%add3A_21] : memref<4096xi32, #tpu.memory_space<hbm>> -> memref<128xi32, #tpu.memory_space<hbm>>
    tpu.enqueue_dma source(%dma_start3A_27 : memref<128xi32, #tpu.memory_space<hbm>>) target(%dma_start3A_26 : memref<128xi32, #tpu.memory_space<vmem>>) target_semaphore(%arg11 : memref<!tpu.dma_semaphore, #tpu.memory_space<semaphore_mem>>)
    %mul3A_28 = arith.constant 128 : i32
    %mul3A_29 = arith.muli %add3A, %mul3A_28 : i32
    %dma_start3A_30 = arith.constant 2496 : i32
    %dma_start3A_31 = tpu.memref_slice %arg8[%dma_start3A_30] : memref<2624xf32, #tpu.memory_space<vmem>> -> memref<128xf32, #tpu.memory_space<vmem>>
    %dma_start3A_32 = tpu.memref_slice %arg5[%mul3A_29] : memref<4096xf32, #tpu.memory_space<hbm>> -> memref<128xf32, #tpu.memory_space<hbm>>
    %dma_start3A_33 = arith.constant 2496 : i32
    %dma_start3A_34 = tpu.memref_slice %arg8[%dma_start3A_33] : memref<2624xf32, #tpu.memory_space<vmem>> -> memref<128xf32, #tpu.memory_space<vmem>>
    %dma_start3A_35 = tpu.memref_slice %arg5[%mul3A_29] : memref<4096xf32, #tpu.memory_space<hbm>> -> memref<128xf32, #tpu.memory_space<hbm>>
    tpu.enqueue_dma source(%dma_start3A_35 : memref<128xf32, #tpu.memory_space<hbm>>) target(%dma_start3A_34 : memref<128xf32, #tpu.memory_space<vmem>>) target_semaphore(%arg11 : memref<!tpu.dma_semaphore, #tpu.memory_space<semaphore_mem>>)
    %scan3A = arith.constant 0 : i32
    %scan3A_36 = arith.constant 0 : i32
    %scan3A_37 = arith.constant 40 : i32
    %scan3A_38 = arith.addi %scan3A_36, %scan3A_37 : i32
    %scan3A_39 = arith.constant 1 : i32
    scf.for %scan3A_74 = %scan3A_36 to %scan3A_38 step %scan3A_39  : i32 {
      %broadcast_in_dim3A = arith.constant 0.000000e+00 : f32
      %broadcast_in_dim3A_75 = vector.broadcast %broadcast_in_dim3A : f32 to vector<16xf32>
      %mul3A_76 = arith.constant 16 : i32
      %mul3A_77 = arith.muli %scan3A_74, %mul3A_76 : i32
      %swap3A = arith.index_cast %mul3A_77 : i32 to index
      %swap3A_78 = tpu.vector_load %arg9[%swap3A] {strides = array<i32>} : memref<640xf32, #tpu.memory_space<vmem>>, vector<16xf32>,
      %swap3A_79 = vector.shape_cast %swap3A_78 : vector<16xf32> to vector<16xf32>
      %swap3A_80 = vector.shape_cast %broadcast_in_dim3A_75 : vector<16xf32> to vector<16xf32>
      tpu.vector_store %arg9[%swap3A], %swap3A_80 {strides = array<i32>} : memref<640xf32, #tpu.memory_space<vmem>>, vector<16xf32>,
    }
    %scan3A_40 = arith.constant 40 : i32
    %mul3A_41 = arith.constant 640 : i32
    %mul3A_42 = arith.muli %arg1, %mul3A_41 : i32
    "tpu.region"() ({
      %run_scoped3A = tpu.sem_alloc : memref<!tpu.dma_semaphore, #tpu.memory_space<semaphore_mem>>
      %dma_start3A_74 = tpu.memref_slice %arg10[%mul3A_42] : memref<10240xf32, #tpu.memory_space<vmem_shared>> -> memref<640xf32, #tpu.memory_space<vmem_shared>>
      %dma_start3A_75 = tpu.memref_slice %arg10[%mul3A_42] : memref<10240xf32, #tpu.memory_space<vmem_shared>> -> memref<640xf32, #tpu.memory_space<vmem_shared>>
      tpu.enqueue_dma source(%arg9 : memref<640xf32, #tpu.memory_space<vmem>>) target(%dma_start3A_75 : memref<640xf32, #tpu.memory_space<vmem_shared>>) target_semaphore(%run_scoped3A : memref<!tpu.dma_semaphore, #tpu.memory_space<semaphore_mem>>)
      %dma_wait3A_76 = tpu.memref_slice %arg10[%mul3A_42] : memref<10240xf32, #tpu.memory_space<vmem_shared>> -> memref<640xf32, #tpu.memory_space<vmem_shared>>
      %dma_wait3A_77 = tpu.memref_slice %arg10[%mul3A_42] : memref<10240xf32, #tpu.memory_space<vmem_shared>> -> memref<640xf32, #tpu.memory_space<vmem_shared>>
      tpu.wait_dma2 semaphore(%run_scoped3A : memref<!tpu.dma_semaphore, #tpu.memory_space<semaphore_mem>>) src(%arg9 : memref<640xf32, #tpu.memory_space<vmem>>) dst(%dma_wait3A_77 : memref<640xf32, #tpu.memory_space<vmem_shared>>)
      tpu.yield
    }) : () -> ()
    %dma_wait3A = arith.constant 0 : i32
    %dma_wait3A_43 = tpu.memref_slice %arg7[%dma_wait3A] : memref<2624xi32, #tpu.memory_space<vmem>> -> memref<2496xi32, #tpu.memory_space<vmem>>
    %dma_wait3A_44 = tpu.memref_slice %arg2[%add3A_4] : memref<160000xi32, #tpu.memory_space<hbm>> -> memref<2496xi32, #tpu.memory_space<hbm>>
    %dma_wait3A_45 = arith.constant 0 : i32
    %dma_wait3A_46 = tpu.memref_slice %arg7[%dma_wait3A_45] : memref<2624xi32, #tpu.memory_space<vmem>> -> memref<2496xi32, #tpu.memory_space<vmem>>
    %dma_wait3A_47 = tpu.memref_slice %arg2[%add3A_4] : memref<160000xi32, #tpu.memory_space<hbm>> -> memref<2496xi32, #tpu.memory_space<hbm>>
    tpu.wait_dma2 semaphore(%arg11 : memref<!tpu.dma_semaphore, #tpu.memory_space<semaphore_mem>>) src(%dma_wait3A_47 : memref<2496xi32, #tpu.memory_space<hbm>>) dst(%dma_wait3A_46 : memref<2496xi32, #tpu.memory_space<vmem>>)
    %dma_wait3A_48 = arith.constant 0 : i32
    %dma_wait3A_49 = tpu.memref_slice %arg8[%dma_wait3A_48] : memref<2624xf32, #tpu.memory_space<vmem>> -> memref<2496xf32, #tpu.memory_space<vmem>>
    %dma_wait3A_50 = tpu.memref_slice %arg3[%mul3A_11] : memref<79872xf32, #tpu.memory_space<hbm>> -> memref<2496xf32, #tpu.memory_space<hbm>>
    %dma_wait3A_51 = arith.constant 0 : i32
    %dma_wait3A_52 = tpu.memref_slice %arg8[%dma_wait3A_51] : memref<2624xf32, #tpu.memory_space<vmem>> -> memref<2496xf32, #tpu.memory_space<vmem>>
    %dma_wait3A_53 = tpu.memref_slice %arg3[%mul3A_11] : memref<79872xf32, #tpu.memory_space<hbm>> -> memref<2496xf32, #tpu.memory_space<hbm>>
    tpu.wait_dma2 semaphore(%arg11 : memref<!tpu.dma_semaphore, #tpu.memory_space<semaphore_mem>>) src(%dma_wait3A_53 : memref<2496xf32, #tpu.memory_space<hbm>>) dst(%dma_wait3A_52 : memref<2496xf32, #tpu.memory_space<vmem>>)
    %dma_wait3A_54 = arith.constant 2496 : i32
    %dma_wait3A_55 = tpu.memref_slice %arg7[%dma_wait3A_54] : memref<2624xi32, #tpu.memory_space<vmem>> -> memref<128xi32, #tpu.memory_space<vmem>>
    %dma_wait3A_56 = tpu.memref_slice %arg4[%add3A_21] : memref<4096xi32, #tpu.memory_space<hbm>> -> memref<128xi32, #tpu.memory_space<hbm>>
    %dma_wait3A_57 = arith.constant 2496 : i32
    %dma_wait3A_58 = tpu.memref_slice %arg7[%dma_wait3A_57] : memref<2624xi32, #tpu.memory_space<vmem>> -> memref<128xi32, #tpu.memory_space<vmem>>
    %dma_wait3A_59 = tpu.memref_slice %arg4[%add3A_21] : memref<4096xi32, #tpu.memory_space<hbm>> -> memref<128xi32, #tpu.memory_space<hbm>>
    tpu.wait_dma2 semaphore(%arg11 : memref<!tpu.dma_semaphore, #tpu.memory_space<semaphore_mem>>) src(%dma_wait3A_59 : memref<128xi32, #tpu.memory_space<hbm>>) dst(%dma_wait3A_58 : memref<128xi32, #tpu.memory_space<vmem>>)
    %dma_wait3A_60 = arith.constant 2496 : i32
    %dma_wait3A_61 = tpu.memref_slice %arg8[%dma_wait3A_60] : memref<2624xf32, #tpu.memory_space<vmem>> -> memref<128xf32, #tpu.memory_space<vmem>>
    %dma_wait3A_62 = tpu.memref_slice %arg5[%mul3A_29] : memref<4096xf32, #tpu.memory_space<hbm>> -> memref<128xf32, #tpu.memory_space<hbm>>
    %dma_wait3A_63 = arith.constant 2496 : i32
    %dma_wait3A_64 = tpu.memref_slice %arg8[%dma_wait3A_63] : memref<2624xf32, #tpu.memory_space<vmem>> -> memref<128xf32, #tpu.memory_space<vmem>>
    %dma_wait3A_65 = tpu.memref_slice %arg5[%mul3A_29] : memref<4096xf32, #tpu.memory_space<hbm>> -> memref<128xf32, #tpu.memory_space<hbm>>
    tpu.wait_dma2 semaphore(%arg11 : memref<!tpu.dma_semaphore, #tpu.memory_space<semaphore_mem>>) src(%dma_wait3A_65 : memref<128xf32, #tpu.memory_space<hbm>>) dst(%dma_wait3A_64 : memref<128xf32, #tpu.memory_space<vmem>>)
    %barrier3A = arith.constant 0 : index
    tpu.barrier barrier_id(%barrier3A)
    "tpu.region"() ({
      %run_scoped3A = tpu.sem_alloc : memref<!tpu.dma_semaphore, #tpu.memory_space<semaphore_mem>>
      %dma_start3A_74 = arith.constant 0 : i32
      %dma_start3A_75 = tpu.memref_slice %arg10[%dma_start3A_74] : memref<10240xf32, #tpu.memory_space<vmem_shared>> -> memref<10240xf32, #tpu.memory_space<vmem_shared>>
      tpu.enqueue_indirect_dma source(%arg8 : memref<2624xf32, #tpu.memory_space<vmem>>) target(%dma_start3A_75 : memref<10240xf32, #tpu.memory_space<vmem_shared>>) offsets(%arg7 : memref<2624xi32, #tpu.memory_space<vmem>>) semaphore(%run_scoped3A : memref<!tpu.dma_semaphore, #tpu.memory_space<semaphore_mem>>) {add = true}
      %dma_wait3A_76 = arith.constant 0 : i32
      %dma_wait3A_77 = tpu.memref_slice %arg10[%dma_wait3A_76] : memref<10240xf32, #tpu.memory_space<vmem_shared>> -> memref<10240xf32, #tpu.memory_space<vmem_shared>>
      tpu.wait_indirect_dma semaphore(%run_scoped3A : memref<!tpu.dma_semaphore, #tpu.memory_space<semaphore_mem>>) src(%arg8 : memref<2624xf32, #tpu.memory_space<vmem>>) dst(%dma_wait3A_77 : memref<10240xf32, #tpu.memory_space<vmem_shared>>)
      tpu.yield
    }) : () -> ()
    %barrier3A_66 = arith.constant 0 : index
    tpu.barrier barrier_id(%barrier3A_66)
    %mul3A_67 = arith.constant 640 : i32
    %mul3A_68 = arith.muli %arg1, %mul3A_67 : i32
    %mul3A_69 = arith.constant 10240 : i32
    %mul3A_70 = arith.muli %arg0, %mul3A_69 : i32
    %mul3A_71 = arith.constant 640 : i32
    %mul3A_72 = arith.muli %arg1, %mul3A_71 : i32
    %add3A_73 = arith.addi %mul3A_70, %mul3A_72 : i32
    "tpu.region"() ({
      %run_scoped3A = tpu.sem_alloc : memref<!tpu.dma_semaphore, #tpu.memory_space<semaphore_mem>>
      %dma_start3A_74 = tpu.memref_slice %arg6[%add3A_73] : memref<20480xf32, #tpu.memory_space<hbm>> -> memref<640xf32, #tpu.memory_space<hbm>>
      %dma_start3A_75 = tpu.memref_slice %arg10[%mul3A_68] : memref<10240xf32, #tpu.memory_space<vmem_shared>> -> memref<640xf32, #tpu.memory_space<vmem_shared>>
      tpu.enqueue_dma source(%dma_start3A_75 : memref<640xf32, #tpu.memory_space<vmem_shared>>) target(%dma_start3A_74 : memref<640xf32, #tpu.memory_space<hbm>>) target_semaphore(%run_scoped3A : memref<!tpu.dma_semaphore, #tpu.memory_space<semaphore_mem>>)
      %dma_wait3A_76 = tpu.memref_slice %arg6[%add3A_73] : memref<20480xf32, #tpu.memory_space<hbm>> -> memref<640xf32, #tpu.memory_space<hbm>>
      %dma_wait3A_77 = tpu.memref_slice %arg10[%mul3A_68] : memref<10240xf32, #tpu.memory_space<vmem_shared>> -> memref<640xf32, #tpu.memory_space<vmem_shared>>
      tpu.wait_dma2 semaphore(%run_scoped3A : memref<!tpu.dma_semaphore, #tpu.memory_space<semaphore_mem>>) src(%dma_wait3A_77 : memref<640xf32, #tpu.memory_space<vmem_shared>>) dst(%dma_wait3A_76 : memref<640xf32, #tpu.memory_space<hbm>>)
      tpu.yield
    }) : () -> ()
    return
  }
}

#map = affine_map<(d0, d1) -> (0)>
module attributes {stable_mosaic.version = 14 : i64} {
  func.func @scatter(%arg0: i32, %arg1: i32, %arg2: memref<160000xi32, #tpu.memory_space<hbm>>, %arg3: memref<79872xf32, #tpu.memory_space<hbm>>, %arg4: memref<20480xf32, #tpu.memory_space<hbm>>, %arg5: memref<2496xi32, #tpu.memory_space<vmem>>, %arg6: memref<2496xf32, #tpu.memory_space<vmem>>, %arg7: memref<640xf32, #tpu.memory_space<vmem>>, %arg8: memref<10240xf32, #tpu.memory_space<vmem_shared>>, %arg9: memref<!tpu.dma_semaphore, #tpu.memory_space<semaphore_mem>>) attributes {dimension_semantics = [#tpu.dimension_semantics<core_parallel>, #tpu.dimension_semantics<subcore_parallel>], iteration_bounds = array<i64: 2, 16>, scalar_prefetch = 0 : i64, scratch_operands = 5 : i64, tpu.core_type = #tpu.core_type<sc_vector_subcore>, window_params = [{transform_indices = #map}, {transform_indices = #map}, {transform_indices = #map}]} {
    %mul3A = arith.constant 2 : i32
    %mul3A_0 = arith.muli %arg1, %mul3A : i32
    %add3A = arith.addi %mul3A_0, %arg0 : i32
    %mul3A_1 = arith.constant 2496 : i32
    %mul3A_2 = arith.muli %add3A, %mul3A_1 : i32
    %add3A_3 = arith.constant 0 : i32
    %add3A_4 = arith.addi %add3A_3, %mul3A_2 : i32
    %dma_start3A = arith.constant 0 : i32
    %dma_start3A_5 = tpu.memref_slice %arg5[%dma_start3A] : memref<2496xi32, #tpu.memory_space<vmem>> -> memref<2496xi32, #tpu.memory_space<vmem>>
    %dma_start3A_6 = tpu.memref_slice %arg2[%add3A_4] : memref<160000xi32, #tpu.memory_space<hbm>> -> memref<2496xi32, #tpu.memory_space<hbm>>
    %dma_start3A_7 = arith.constant 0 : i32
    %dma_start3A_8 = tpu.memref_slice %arg5[%dma_start3A_7] : memref<2496xi32, #tpu.memory_space<vmem>> -> memref<2496xi32, #tpu.memory_space<vmem>>
    %dma_start3A_9 = tpu.memref_slice %arg2[%add3A_4] : memref<160000xi32, #tpu.memory_space<hbm>> -> memref<2496xi32, #tpu.memory_space<hbm>>
    tpu.enqueue_dma source(%dma_start3A_9 : memref<2496xi32, #tpu.memory_space<hbm>>) target(%dma_start3A_8 : memref<2496xi32, #tpu.memory_space<vmem>>) target_semaphore(%arg9 : memref<!tpu.dma_semaphore, #tpu.memory_space<semaphore_mem>>)
    %mul3A_10 = arith.constant 2496 : i32
    %mul3A_11 = arith.muli %add3A, %mul3A_10 : i32
    %dma_start3A_12 = arith.constant 0 : i32
    %dma_start3A_13 = tpu.memref_slice %arg6[%dma_start3A_12] : memref<2496xf32, #tpu.memory_space<vmem>> -> memref<2496xf32, #tpu.memory_space<vmem>>
    %dma_start3A_14 = tpu.memref_slice %arg3[%mul3A_11] : memref<79872xf32, #tpu.memory_space<hbm>> -> memref<2496xf32, #tpu.memory_space<hbm>>
    %dma_start3A_15 = arith.constant 0 : i32
    %dma_start3A_16 = tpu.memref_slice %arg6[%dma_start3A_15] : memref<2496xf32, #tpu.memory_space<vmem>> -> memref<2496xf32, #tpu.memory_space<vmem>>
    %dma_start3A_17 = tpu.memref_slice %arg3[%mul3A_11] : memref<79872xf32, #tpu.memory_space<hbm>> -> memref<2496xf32, #tpu.memory_space<hbm>>
    tpu.enqueue_dma source(%dma_start3A_17 : memref<2496xf32, #tpu.memory_space<hbm>>) target(%dma_start3A_16 : memref<2496xf32, #tpu.memory_space<vmem>>) target_semaphore(%arg9 : memref<!tpu.dma_semaphore, #tpu.memory_space<semaphore_mem>>)
    %scan3A = arith.constant 0 : i32
    %scan3A_18 = arith.constant 0 : i32
    %scan3A_19 = arith.constant 40 : i32
    %scan3A_20 = arith.addi %scan3A_18, %scan3A_19 : i32
    %scan3A_21 = arith.constant 1 : i32
    scf.for %scan3A_44 = %scan3A_18 to %scan3A_20 step %scan3A_21  : i32 {
      %broadcast_in_dim3A = arith.constant 0.000000e+00 : f32
      %broadcast_in_dim3A_45 = vector.broadcast %broadcast_in_dim3A : f32 to vector<16xf32>
      %mul3A_46 = arith.constant 16 : i32
      %mul3A_47 = arith.muli %scan3A_44, %mul3A_46 : i32
      %swap3A = arith.index_cast %mul3A_47 : i32 to index
      %swap3A_48 = tpu.vector_load %arg7[%swap3A] {strides = array<i32>} : memref<640xf32, #tpu.memory_space<vmem>>, vector<16xf32>,
      %swap3A_49 = vector.shape_cast %swap3A_48 : vector<16xf32> to vector<16xf32>
      %swap3A_50 = vector.shape_cast %broadcast_in_dim3A_45 : vector<16xf32> to vector<16xf32>
      tpu.vector_store %arg7[%swap3A], %swap3A_50 {strides = array<i32>} : memref<640xf32, #tpu.memory_space<vmem>>, vector<16xf32>,
    }
    %scan3A_22 = arith.constant 40 : i32
    %mul3A_23 = arith.constant 640 : i32
    %mul3A_24 = arith.muli %arg1, %mul3A_23 : i32
    "tpu.region"() ({
      %run_scoped3A = tpu.sem_alloc : memref<!tpu.dma_semaphore, #tpu.memory_space<semaphore_mem>>
      %dma_start3A_44 = tpu.memref_slice %arg8[%mul3A_24] : memref<10240xf32, #tpu.memory_space<vmem_shared>> -> memref<640xf32, #tpu.memory_space<vmem_shared>>
      %dma_start3A_45 = tpu.memref_slice %arg8[%mul3A_24] : memref<10240xf32, #tpu.memory_space<vmem_shared>> -> memref<640xf32, #tpu.memory_space<vmem_shared>>
      tpu.enqueue_dma source(%arg7 : memref<640xf32, #tpu.memory_space<vmem>>) target(%dma_start3A_45 : memref<640xf32, #tpu.memory_space<vmem_shared>>) target_semaphore(%run_scoped3A : memref<!tpu.dma_semaphore, #tpu.memory_space<semaphore_mem>>)
      %dma_wait3A_46 = tpu.memref_slice %arg8[%mul3A_24] : memref<10240xf32, #tpu.memory_space<vmem_shared>> -> memref<640xf32, #tpu.memory_space<vmem_shared>>
      %dma_wait3A_47 = tpu.memref_slice %arg8[%mul3A_24] : memref<10240xf32, #tpu.memory_space<vmem_shared>> -> memref<640xf32, #tpu.memory_space<vmem_shared>>
      tpu.wait_dma2 semaphore(%run_scoped3A : memref<!tpu.dma_semaphore, #tpu.memory_space<semaphore_mem>>) src(%arg7 : memref<640xf32, #tpu.memory_space<vmem>>) dst(%dma_wait3A_47 : memref<640xf32, #tpu.memory_space<vmem_shared>>)
      tpu.yield
    }) : () -> ()
    %dma_wait3A = arith.constant 0 : i32
    %dma_wait3A_25 = tpu.memref_slice %arg5[%dma_wait3A] : memref<2496xi32, #tpu.memory_space<vmem>> -> memref<2496xi32, #tpu.memory_space<vmem>>
    %dma_wait3A_26 = tpu.memref_slice %arg2[%add3A_4] : memref<160000xi32, #tpu.memory_space<hbm>> -> memref<2496xi32, #tpu.memory_space<hbm>>
    %dma_wait3A_27 = arith.constant 0 : i32
    %dma_wait3A_28 = tpu.memref_slice %arg5[%dma_wait3A_27] : memref<2496xi32, #tpu.memory_space<vmem>> -> memref<2496xi32, #tpu.memory_space<vmem>>
    %dma_wait3A_29 = tpu.memref_slice %arg2[%add3A_4] : memref<160000xi32, #tpu.memory_space<hbm>> -> memref<2496xi32, #tpu.memory_space<hbm>>
    tpu.wait_dma2 semaphore(%arg9 : memref<!tpu.dma_semaphore, #tpu.memory_space<semaphore_mem>>) src(%dma_wait3A_29 : memref<2496xi32, #tpu.memory_space<hbm>>) dst(%dma_wait3A_28 : memref<2496xi32, #tpu.memory_space<vmem>>)
    %dma_wait3A_30 = arith.constant 0 : i32
    %dma_wait3A_31 = tpu.memref_slice %arg6[%dma_wait3A_30] : memref<2496xf32, #tpu.memory_space<vmem>> -> memref<2496xf32, #tpu.memory_space<vmem>>
    %dma_wait3A_32 = tpu.memref_slice %arg3[%mul3A_11] : memref<79872xf32, #tpu.memory_space<hbm>> -> memref<2496xf32, #tpu.memory_space<hbm>>
    %dma_wait3A_33 = arith.constant 0 : i32
    %dma_wait3A_34 = tpu.memref_slice %arg6[%dma_wait3A_33] : memref<2496xf32, #tpu.memory_space<vmem>> -> memref<2496xf32, #tpu.memory_space<vmem>>
    %dma_wait3A_35 = tpu.memref_slice %arg3[%mul3A_11] : memref<79872xf32, #tpu.memory_space<hbm>> -> memref<2496xf32, #tpu.memory_space<hbm>>
    tpu.wait_dma2 semaphore(%arg9 : memref<!tpu.dma_semaphore, #tpu.memory_space<semaphore_mem>>) src(%dma_wait3A_35 : memref<2496xf32, #tpu.memory_space<hbm>>) dst(%dma_wait3A_34 : memref<2496xf32, #tpu.memory_space<vmem>>)
    %barrier3A = arith.constant 0 : index
    tpu.barrier barrier_id(%barrier3A)
    "tpu.region"() ({
      %run_scoped3A = tpu.sem_alloc : memref<!tpu.dma_semaphore, #tpu.memory_space<semaphore_mem>>
      %dma_start3A_44 = arith.constant 0 : i32
      %dma_start3A_45 = tpu.memref_slice %arg8[%dma_start3A_44] : memref<10240xf32, #tpu.memory_space<vmem_shared>> -> memref<10240xf32, #tpu.memory_space<vmem_shared>>
      tpu.enqueue_indirect_dma source(%arg6 : memref<2496xf32, #tpu.memory_space<vmem>>) target(%dma_start3A_45 : memref<10240xf32, #tpu.memory_space<vmem_shared>>) offsets(%arg5 : memref<2496xi32, #tpu.memory_space<vmem>>) semaphore(%run_scoped3A : memref<!tpu.dma_semaphore, #tpu.memory_space<semaphore_mem>>) {add = true}
      %dma_wait3A_46 = arith.constant 0 : i32
      %dma_wait3A_47 = tpu.memref_slice %arg8[%dma_wait3A_46] : memref<10240xf32, #tpu.memory_space<vmem_shared>> -> memref<10240xf32, #tpu.memory_space<vmem_shared>>
      tpu.wait_indirect_dma semaphore(%run_scoped3A : memref<!tpu.dma_semaphore, #tpu.memory_space<semaphore_mem>>) src(%arg6 : memref<2496xf32, #tpu.memory_space<vmem>>) dst(%dma_wait3A_47 : memref<10240xf32, #tpu.memory_space<vmem_shared>>)
      tpu.yield
    }) : () -> ()
    %barrier3A_36 = arith.constant 0 : index
    tpu.barrier barrier_id(%barrier3A_36)
    %mul3A_37 = arith.constant 640 : i32
    %mul3A_38 = arith.muli %arg1, %mul3A_37 : i32
    %mul3A_39 = arith.constant 10240 : i32
    %mul3A_40 = arith.muli %arg0, %mul3A_39 : i32
    %mul3A_41 = arith.constant 640 : i32
    %mul3A_42 = arith.muli %arg1, %mul3A_41 : i32
    %add3A_43 = arith.addi %mul3A_40, %mul3A_42 : i32
    "tpu.region"() ({
      %run_scoped3A = tpu.sem_alloc : memref<!tpu.dma_semaphore, #tpu.memory_space<semaphore_mem>>
      %dma_start3A_44 = tpu.memref_slice %arg4[%add3A_43] : memref<20480xf32, #tpu.memory_space<hbm>> -> memref<640xf32, #tpu.memory_space<hbm>>
      %dma_start3A_45 = tpu.memref_slice %arg8[%mul3A_38] : memref<10240xf32, #tpu.memory_space<vmem_shared>> -> memref<640xf32, #tpu.memory_space<vmem_shared>>
      tpu.enqueue_dma source(%dma_start3A_45 : memref<640xf32, #tpu.memory_space<vmem_shared>>) target(%dma_start3A_44 : memref<640xf32, #tpu.memory_space<hbm>>) target_semaphore(%run_scoped3A : memref<!tpu.dma_semaphore, #tpu.memory_space<semaphore_mem>>)
      %dma_wait3A_46 = tpu.memref_slice %arg4[%add3A_43] : memref<20480xf32, #tpu.memory_space<hbm>> -> memref<640xf32, #tpu.memory_space<hbm>>
      %dma_wait3A_47 = tpu.memref_slice %arg8[%mul3A_38] : memref<10240xf32, #tpu.memory_space<vmem_shared>> -> memref<640xf32, #tpu.memory_space<vmem_shared>>
      tpu.wait_dma2 semaphore(%run_scoped3A : memref<!tpu.dma_semaphore, #tpu.memory_space<semaphore_mem>>) src(%dma_wait3A_47 : memref<640xf32, #tpu.memory_space<vmem_shared>>) dst(%dma_wait3A_46 : memref<640xf32, #tpu.memory_space<hbm>>)
      tpu.yield
    }) : () -> ()
    return
  }
}

module attributes {stable_mosaic.version = 14 : i64} {
  func.func @_mlp_body(%arg0: i32, %arg1: memref<2048x256xf32, #tpu.memory_space<vmem>>, %arg2: memref<16x128xf32, #tpu.memory_space<vmem>>, %arg3: memref<768x256xf32, #tpu.memory_space<vmem>>, %arg4: memref<1x256xf32, #tpu.memory_space<vmem>>, %arg5: memref<1x256xf32, #tpu.memory_space<vmem>>, %arg6: memref<1x256xf32, #tpu.memory_space<vmem>>, %arg7: memref<1x256xf32, #tpu.memory_space<vmem>>, %arg8: memref<1x256xf32, #tpu.memory_space<vmem>>, %arg9: memref<1x256xf32, #tpu.memory_space<vmem>>, %arg10: memref<256x128xf32, #tpu.memory_space<vmem>>, %arg11: memref<1x1xf32, #tpu.memory_space<vmem>>, %arg12: memref<16x128xf32, #tpu.memory_space<vmem>>) attributes {dimension_semantics = [#tpu.dimension_semantics<arbitrary>], iteration_bounds = array<i64: 39>, scalar_prefetch = 0 : i64, scratch_operands = 0 : i64, tpu.core_type = #tpu.core_type<tc>, window_params = [{transform_indices = @transform_0, window_bounds = array<i64: 2048, 256>}, {transform_indices = @transform_1, window_bounds = array<i64: 16, 128>}, {pipeline_mode = #tpu.pipeline_mode<synchronous>, transform_indices = @transform_2, window_bounds = array<i64: 768, 256>}, {pipeline_mode = #tpu.pipeline_mode<synchronous>, transform_indices = @transform_3, window_bounds = array<i64: 1, 256>}, {pipeline_mode = #tpu.pipeline_mode<synchronous>, transform_indices = @transform_4, window_bounds = array<i64: 1, 256>}, {pipeline_mode = #tpu.pipeline_mode<synchronous>, transform_indices = @transform_5, window_bounds = array<i64: 1, 256>}, {pipeline_mode = #tpu.pipeline_mode<synchronous>, transform_indices = @transform_6, window_bounds = array<i64: 1, 256>}, {pipeline_mode = #tpu.pipeline_mode<synchronous>, transform_indices = @transform_7, window_bounds = array<i64: 1, 256>}, {pipeline_mode = #tpu.pipeline_mode<synchronous>, transform_indices = @transform_8, window_bounds = array<i64: 1, 256>}, {pipeline_mode = #tpu.pipeline_mode<synchronous>, transform_indices = @transform_9, window_bounds = array<i64: 256, 128>}, {pipeline_mode = #tpu.pipeline_mode<synchronous>, transform_indices = @transform_10, window_bounds = array<i64: 1, 1>}, {transform_indices = @transform_11, window_bounds = array<i64: 16, 128>}]} {
    %get3A = arith.constant 0 : index
    %get3A_0 = arith.constant 0 : index
    %get3A_1 = vector.load %arg1[%get3A, %get3A_0] : memref<2048x256xf32, #tpu.memory_space<vmem>>, vector<2048x256xf32>
    %get3A_2 = arith.constant 0 : index
    %get3A_3 = arith.constant 0 : index
    %get3A_4 = vector.load %arg3[%get3A_2, %get3A_3] : memref<768x256xf32, #tpu.memory_space<vmem>>, vector<256x256xf32>
    %dot_general3A = arith.constant dense<0.000000e+00> : vector<2048x256xf32>
    %dot_general3A_5 = tpu.matmul %get3A_1, %get3A_4, %dot_general3A {dimension_numbers = #tpu.dot_dimension_numbers<[1], [0], [0], [1], [0, 0, 1, 1], [], []>, transpose_lhs_hint = false} : vector<2048x256xf32>, vector<256x256xf32>, vector<2048x256xf32> -> vector<2048x256xf32>
    %get3A_6 = arith.constant 0 : index
    %get3A_7 = arith.constant 0 : index
    %get3A_8 = vector.load %arg4[%get3A_6, %get3A_7] : memref<1x256xf32, #tpu.memory_space<vmem>>, vector<1x256xf32>
    %mul3A = arith.constant 5.000000e-01 : f32
    %mul3A_9 = vector.broadcast %mul3A : f32 to vector<1x256xf32>
    %mul3A_10 = arith.mulf %get3A_8, %mul3A_9 : vector<1x256xf32>
    %add3A = vector.broadcast %mul3A_10 : vector<1x256xf32> to vector<2048x256xf32>
    %add3A_11 = arith.addf %dot_general3A_5, %add3A : vector<2048x256xf32>
    %get3A_12 = arith.constant 0 : index
    %get3A_13 = arith.constant 0 : index
    %get3A_14 = vector.load %arg5[%get3A_12, %get3A_13] : memref<1x256xf32, #tpu.memory_space<vmem>>, vector<1x256xf32>
    %mul3A_15 = vector.broadcast %get3A_14 : vector<1x256xf32> to vector<2048x256xf32>
    %mul3A_16 = arith.mulf %add3A_11, %mul3A_15 : vector<2048x256xf32>
    %add3A_17 = arith.addf %get3A_1, %mul3A_16 : vector<2048x256xf32>
    %tanh3A = math.tanh %add3A_11 : vector<2048x256xf32>
    %mul3A_18 = arith.mulf %mul3A_16, %tanh3A : vector<2048x256xf32>
    %add3A_19 = arith.addf %add3A_17, %mul3A_18 : vector<2048x256xf32>
    %get3A_20 = arith.constant 256 : index
    %get3A_21 = arith.constant 0 : index
    %get3A_22 = vector.load %arg3[%get3A_20, %get3A_21] : memref<768x256xf32, #tpu.memory_space<vmem>>, vector<256x256xf32>
    %dot_general3A_23 = arith.constant dense<0.000000e+00> : vector<2048x256xf32>
    %dot_general3A_24 = tpu.matmul %add3A_19, %get3A_22, %dot_general3A_23 {dimension_numbers = #tpu.dot_dimension_numbers<[1], [0], [0], [1], [0, 0, 1, 1], [], []>, transpose_lhs_hint = false} : vector<2048x256xf32>, vector<256x256xf32>, vector<2048x256xf32> -> vector<2048x256xf32>
    %get3A_25 = arith.constant 0 : index
    %get3A_26 = arith.constant 0 : index
    %get3A_27 = vector.load %arg6[%get3A_25, %get3A_26] : memref<1x256xf32, #tpu.memory_space<vmem>>, vector<1x256xf32>
    %mul3A_28 = arith.constant 5.000000e-01 : f32
    %mul3A_29 = vector.broadcast %mul3A_28 : f32 to vector<1x256xf32>
    %mul3A_30 = arith.mulf %get3A_27, %mul3A_29 : vector<1x256xf32>
    %add3A_31 = vector.broadcast %mul3A_30 : vector<1x256xf32> to vector<2048x256xf32>
    %add3A_32 = arith.addf %dot_general3A_24, %add3A_31 : vector<2048x256xf32>
    %get3A_33 = arith.constant 0 : index
    %get3A_34 = arith.constant 0 : index
    %get3A_35 = vector.load %arg7[%get3A_33, %get3A_34] : memref<1x256xf32, #tpu.memory_space<vmem>>, vector<1x256xf32>
    %mul3A_36 = vector.broadcast %get3A_35 : vector<1x256xf32> to vector<2048x256xf32>
    %mul3A_37 = arith.mulf %add3A_32, %mul3A_36 : vector<2048x256xf32>
    %add3A_38 = arith.addf %add3A_19, %mul3A_37 : vector<2048x256xf32>
    %tanh3A_39 = math.tanh %add3A_32 : vector<2048x256xf32>
    %mul3A_40 = arith.mulf %mul3A_37, %tanh3A_39 : vector<2048x256xf32>
    %add3A_41 = arith.addf %add3A_38, %mul3A_40 : vector<2048x256xf32>
    %get3A_42 = arith.constant 512 : index
    %get3A_43 = arith.constant 0 : index
    %get3A_44 = vector.load %arg3[%get3A_42, %get3A_43] : memref<768x256xf32, #tpu.memory_space<vmem>>, vector<256x256xf32>
    %dot_general3A_45 = arith.constant dense<0.000000e+00> : vector<2048x256xf32>
    %dot_general3A_46 = tpu.matmul %add3A_41, %get3A_44, %dot_general3A_45 {dimension_numbers = #tpu.dot_dimension_numbers<[1], [0], [0], [1], [0, 0, 1, 1], [], []>, transpose_lhs_hint = false} : vector<2048x256xf32>, vector<256x256xf32>, vector<2048x256xf32> -> vector<2048x256xf32>
    %get3A_47 = arith.constant 0 : index
    %get3A_48 = arith.constant 0 : index
    %get3A_49 = vector.load %arg8[%get3A_47, %get3A_48] : memref<1x256xf32, #tpu.memory_space<vmem>>, vector<1x256xf32>
    %mul3A_50 = arith.constant 5.000000e-01 : f32
    %mul3A_51 = vector.broadcast %mul3A_50 : f32 to vector<1x256xf32>
    %mul3A_52 = arith.mulf %get3A_49, %mul3A_51 : vector<1x256xf32>
    %add3A_53 = vector.broadcast %mul3A_52 : vector<1x256xf32> to vector<2048x256xf32>
    %add3A_54 = arith.addf %dot_general3A_46, %add3A_53 : vector<2048x256xf32>
    %get3A_55 = arith.constant 0 : index
    %get3A_56 = arith.constant 0 : index
    %get3A_57 = vector.load %arg9[%get3A_55, %get3A_56] : memref<1x256xf32, #tpu.memory_space<vmem>>, vector<1x256xf32>
    %mul3A_58 = vector.broadcast %get3A_57 : vector<1x256xf32> to vector<2048x256xf32>
    %mul3A_59 = arith.mulf %add3A_54, %mul3A_58 : vector<2048x256xf32>
    %add3A_60 = arith.addf %add3A_41, %mul3A_59 : vector<2048x256xf32>
    %tanh3A_61 = math.tanh %add3A_54 : vector<2048x256xf32>
    %mul3A_62 = arith.mulf %mul3A_59, %tanh3A_61 : vector<2048x256xf32>
    %add3A_63 = arith.addf %add3A_60, %mul3A_62 : vector<2048x256xf32>
    %get3A_64 = arith.constant 0 : index
    %get3A_65 = arith.constant 0 : index
    %get3A_66 = vector.load %arg10[%get3A_64, %get3A_65] : memref<256x128xf32, #tpu.memory_space<vmem>>, vector<256x128xf32>
    %dot_general3A_67 = arith.constant dense<0.000000e+00> : vector<2048x128xf32>
    %dot_general3A_68 = tpu.matmul %add3A_63, %get3A_66, %dot_general3A_67 {dimension_numbers = #tpu.dot_dimension_numbers<[1], [0], [0], [1], [0, 0, 1, 1], [], []>, transpose_lhs_hint = false} : vector<2048x256xf32>, vector<256x128xf32>, vector<2048x128xf32> -> vector<2048x128xf32>
    %reshape3A = vector.shape_cast %dot_general3A_68 : vector<2048x128xf32> to vector<16x128x128xf32>
    %iota3A = tpu.iota {dimensions = array<i32: 1>} : vector<16x128x128xi32>
    %iota3A_69 = tpu.iota {dimensions = array<i32: 2>} : vector<16x128x128xi32>
    %eq3A = arith.cmpi eq, %iota3A, %iota3A_69 : vector<16x128x128xi32>
    %jit3A = arith.constant 0.000000e+00 : f32
    %broadcast_in_dim3A = vector.broadcast %jit3A : f32 to vector<16x128x128xf32>
    %select_n3A = arith.select %eq3A, %reshape3A, %broadcast_in_dim3A : vector<16x128x128xi1>, vector<16x128x128xf32>
    %reduce_sum3A = arith.constant dense<0.000000e+00> : vector<16x128xf32>
    %reduce_sum3A_70 = vector.multi_reduction <add>, %select_n3A, %reduce_sum3A [1] : vector<16x128x128xf32> to vector<16x128xf32>
    %get3A_71 = arith.constant 0 : index
    %get3A_72 = arith.constant 0 : index
    %get3A_73 = vector.load %arg11[%get3A_71, %get3A_72] : memref<1x1xf32, #tpu.memory_space<vmem>>, vector<1x1xf32>
    %get3A_74 = vector.extract %get3A_73[0, 0] : f32 from vector<1x1xf32>
    %add3A_75 = vector.broadcast %get3A_74 : f32 to vector<16x128xf32>
    %add3A_76 = arith.addf %reduce_sum3A_70, %add3A_75 : vector<16x128xf32>
    %get3A_77 = arith.constant 0 : index
    %get3A_78 = arith.constant 0 : index
    %get3A_79 = vector.load %arg2[%get3A_77, %get3A_78] : memref<16x128xf32, #tpu.memory_space<vmem>>, vector<16x128xf32>
    %mul3A_80 = arith.mulf %add3A_76, %get3A_79 : vector<16x128xf32>
    %swap3A = arith.constant 0 : index
    %swap3A_81 = arith.constant 0 : index
    %swap3A_82 = vector.load %arg12[%swap3A, %swap3A_81] : memref<16x128xf32, #tpu.memory_space<vmem>>, vector<16x128xf32>
    tpu.vector_store %arg12[%swap3A, %swap3A_81], %mul3A_80 {strides = array<i32>} : memref<16x128xf32, #tpu.memory_space<vmem>>, vector<16x128xf32>,
    return
  }
  func.func @transform_0(%arg0: i32) -> (i32, i32) {
    %add3A = arith.constant 0 : i32
    %add3A_0 = arith.addi %arg0, %add3A : i32
    %c0_i32 = arith.constant 0 : i32
    %c0_i32_1 = arith.constant 0 : i32
    return %add3A_0, %c0_i32 : i32, i32
  }
  func.func @transform_1(%arg0: i32) -> (i32, i32) {
    %add3A = arith.constant 0 : i32
    %add3A_0 = arith.addi %arg0, %add3A : i32
    %c0_i32 = arith.constant 0 : i32
    %c0_i32_1 = arith.constant 0 : i32
    return %add3A_0, %c0_i32 : i32, i32
  }
  func.func @transform_2(%arg0: i32) -> (i32, i32) {
    %c0_i32 = arith.constant 0 : i32
    %c0_i32_0 = arith.constant 0 : i32
    %c0_i32_1 = arith.constant 0 : i32
    return %c0_i32, %c0_i32_0 : i32, i32
  }
  func.func @transform_3(%arg0: i32) -> (i32, i32) {
    %c0_i32 = arith.constant 0 : i32
    %c0_i32_0 = arith.constant 0 : i32
    %c0_i32_1 = arith.constant 0 : i32
    return %c0_i32, %c0_i32_0 : i32, i32
  }
  func.func @transform_4(%arg0: i32) -> (i32, i32) {
    %c0_i32 = arith.constant 0 : i32
    %c0_i32_0 = arith.constant 0 : i32
    %c0_i32_1 = arith.constant 0 : i32
    return %c0_i32, %c0_i32_0 : i32, i32
  }
  func.func @transform_5(%arg0: i32) -> (i32, i32) {
    %c0_i32 = arith.constant 0 : i32
    %c0_i32_0 = arith.constant 0 : i32
    %c0_i32_1 = arith.constant 0 : i32
    return %c0_i32, %c0_i32_0 : i32, i32
  }
  func.func @transform_6(%arg0: i32) -> (i32, i32) {
    %c0_i32 = arith.constant 0 : i32
    %c0_i32_0 = arith.constant 0 : i32
    %c0_i32_1 = arith.constant 0 : i32
    return %c0_i32, %c0_i32_0 : i32, i32
  }
  func.func @transform_7(%arg0: i32) -> (i32, i32) {
    %c0_i32 = arith.constant 0 : i32
    %c0_i32_0 = arith.constant 0 : i32
    %c0_i32_1 = arith.constant 0 : i32
    return %c0_i32, %c0_i32_0 : i32, i32
  }
  func.func @transform_8(%arg0: i32) -> (i32, i32) {
    %c0_i32 = arith.constant 0 : i32
    %c0_i32_0 = arith.constant 0 : i32
    %c0_i32_1 = arith.constant 0 : i32
    return %c0_i32, %c0_i32_0 : i32, i32
  }
  func.func @transform_9(%arg0: i32) -> (i32, i32) {
    %c0_i32 = arith.constant 0 : i32
    %c0_i32_0 = arith.constant 0 : i32
    %c0_i32_1 = arith.constant 0 : i32
    return %c0_i32, %c0_i32_0 : i32, i32
  }
  func.func @transform_10(%arg0: i32) -> (i32, i32) {
    %c0_i32 = arith.constant 0 : i32
    %c0_i32_0 = arith.constant 0 : i32
    %c0_i32_1 = arith.constant 0 : i32
    return %c0_i32, %c0_i32_0 : i32, i32
  }
  func.func @transform_11(%arg0: i32) -> (i32, i32) {
    %c0_i32 = arith.constant 0 : i32
    %c0_i32_0 = arith.constant 0 : i32
    return %arg0, %c0_i32 : i32, i32
  }
}

module attributes {stable_mosaic.version = 14 : i64} {
  func.func @_mlp_body(%arg0: i32, %arg1: memref<2048x256xf32, #tpu.memory_space<vmem>>, %arg2: memref<16x128xf32, #tpu.memory_space<vmem>>, %arg3: memref<768x256xf32, #tpu.memory_space<vmem>>, %arg4: memref<1x256xf32, #tpu.memory_space<vmem>>, %arg5: memref<1x256xf32, #tpu.memory_space<vmem>>, %arg6: memref<1x256xf32, #tpu.memory_space<vmem>>, %arg7: memref<1x256xf32, #tpu.memory_space<vmem>>, %arg8: memref<1x256xf32, #tpu.memory_space<vmem>>, %arg9: memref<1x256xf32, #tpu.memory_space<vmem>>, %arg10: memref<256x128xf32, #tpu.memory_space<vmem>>, %arg11: memref<1x1xf32, #tpu.memory_space<vmem>>, %arg12: memref<16x128xf32, #tpu.memory_space<vmem>>) attributes {dimension_semantics = [#tpu.dimension_semantics<arbitrary>], iteration_bounds = array<i64: 39>, scalar_prefetch = 0 : i64, scratch_operands = 0 : i64, tpu.core_type = #tpu.core_type<tc>, window_params = [{transform_indices = @transform_0, window_bounds = array<i64: 2048, 256>}, {transform_indices = @transform_1, window_bounds = array<i64: 16, 128>}, {pipeline_mode = #tpu.pipeline_mode<synchronous>, transform_indices = @transform_2, window_bounds = array<i64: 768, 256>}, {pipeline_mode = #tpu.pipeline_mode<synchronous>, transform_indices = @transform_3, window_bounds = array<i64: 1, 256>}, {pipeline_mode = #tpu.pipeline_mode<synchronous>, transform_indices = @transform_4, window_bounds = array<i64: 1, 256>}, {pipeline_mode = #tpu.pipeline_mode<synchronous>, transform_indices = @transform_5, window_bounds = array<i64: 1, 256>}, {pipeline_mode = #tpu.pipeline_mode<synchronous>, transform_indices = @transform_6, window_bounds = array<i64: 1, 256>}, {pipeline_mode = #tpu.pipeline_mode<synchronous>, transform_indices = @transform_7, window_bounds = array<i64: 1, 256>}, {pipeline_mode = #tpu.pipeline_mode<synchronous>, transform_indices = @transform_8, window_bounds = array<i64: 1, 256>}, {pipeline_mode = #tpu.pipeline_mode<synchronous>, transform_indices = @transform_9, window_bounds = array<i64: 256, 128>}, {pipeline_mode = #tpu.pipeline_mode<synchronous>, transform_indices = @transform_10, window_bounds = array<i64: 1, 1>}, {transform_indices = @transform_11, window_bounds = array<i64: 16, 128>}]} {
    %get3A = arith.constant 0 : index
    %get3A_0 = arith.constant 0 : index
    %get3A_1 = vector.load %arg1[%get3A, %get3A_0] : memref<2048x256xf32, #tpu.memory_space<vmem>>, vector<2048x256xf32>
    %get3A_2 = arith.constant 0 : index
    %get3A_3 = arith.constant 0 : index
    %get3A_4 = vector.load %arg3[%get3A_2, %get3A_3] : memref<768x256xf32, #tpu.memory_space<vmem>>, vector<256x256xf32>
    %dot_general3A = arith.constant dense<0.000000e+00> : vector<2048x256xf32>
    %dot_general3A_5 = tpu.matmul %get3A_1, %get3A_4, %dot_general3A {dimension_numbers = #tpu.dot_dimension_numbers<[1], [0], [0], [1], [0, 0, 1, 1], [], []>, transpose_lhs_hint = false} : vector<2048x256xf32>, vector<256x256xf32>, vector<2048x256xf32> -> vector<2048x256xf32>
    %get3A_6 = arith.constant 0 : index
    %get3A_7 = arith.constant 0 : index
    %get3A_8 = vector.load %arg4[%get3A_6, %get3A_7] : memref<1x256xf32, #tpu.memory_space<vmem>>, vector<1x256xf32>
    %mul3A = arith.constant 5.000000e-01 : f32
    %mul3A_9 = vector.broadcast %mul3A : f32 to vector<1x256xf32>
    %mul3A_10 = arith.mulf %get3A_8, %mul3A_9 : vector<1x256xf32>
    %add3A = vector.broadcast %mul3A_10 : vector<1x256xf32> to vector<2048x256xf32>
    %add3A_11 = arith.addf %dot_general3A_5, %add3A : vector<2048x256xf32>
    %get3A_12 = arith.constant 0 : index
    %get3A_13 = arith.constant 0 : index
    %get3A_14 = vector.load %arg5[%get3A_12, %get3A_13] : memref<1x256xf32, #tpu.memory_space<vmem>>, vector<1x256xf32>
    %mul3A_15 = vector.broadcast %get3A_14 : vector<1x256xf32> to vector<2048x256xf32>
    %mul3A_16 = arith.mulf %add3A_11, %mul3A_15 : vector<2048x256xf32>
    %add3A_17 = arith.addf %get3A_1, %mul3A_16 : vector<2048x256xf32>
    %tanh3A = math.tanh %add3A_11 : vector<2048x256xf32>
    %mul3A_18 = arith.mulf %mul3A_16, %tanh3A : vector<2048x256xf32>
    %add3A_19 = arith.addf %add3A_17, %mul3A_18 : vector<2048x256xf32>
    %get3A_20 = arith.constant 256 : index
    %get3A_21 = arith.constant 0 : index
    %get3A_22 = vector.load %arg3[%get3A_20, %get3A_21] : memref<768x256xf32, #tpu.memory_space<vmem>>, vector<256x256xf32>
    %dot_general3A_23 = arith.constant dense<0.000000e+00> : vector<2048x256xf32>
    %dot_general3A_24 = tpu.matmul %add3A_19, %get3A_22, %dot_general3A_23 {dimension_numbers = #tpu.dot_dimension_numbers<[1], [0], [0], [1], [0, 0, 1, 1], [], []>, transpose_lhs_hint = false} : vector<2048x256xf32>, vector<256x256xf32>, vector<2048x256xf32> -> vector<2048x256xf32>
    %get3A_25 = arith.constant 0 : index
    %get3A_26 = arith.constant 0 : index
    %get3A_27 = vector.load %arg6[%get3A_25, %get3A_26] : memref<1x256xf32, #tpu.memory_space<vmem>>, vector<1x256xf32>
    %mul3A_28 = arith.constant 5.000000e-01 : f32
    %mul3A_29 = vector.broadcast %mul3A_28 : f32 to vector<1x256xf32>
    %mul3A_30 = arith.mulf %get3A_27, %mul3A_29 : vector<1x256xf32>
    %add3A_31 = vector.broadcast %mul3A_30 : vector<1x256xf32> to vector<2048x256xf32>
    %add3A_32 = arith.addf %dot_general3A_24, %add3A_31 : vector<2048x256xf32>
    %get3A_33 = arith.constant 0 : index
    %get3A_34 = arith.constant 0 : index
    %get3A_35 = vector.load %arg7[%get3A_33, %get3A_34] : memref<1x256xf32, #tpu.memory_space<vmem>>, vector<1x256xf32>
    %mul3A_36 = vector.broadcast %get3A_35 : vector<1x256xf32> to vector<2048x256xf32>
    %mul3A_37 = arith.mulf %add3A_32, %mul3A_36 : vector<2048x256xf32>
    %add3A_38 = arith.addf %add3A_19, %mul3A_37 : vector<2048x256xf32>
    %tanh3A_39 = math.tanh %add3A_32 : vector<2048x256xf32>
    %mul3A_40 = arith.mulf %mul3A_37, %tanh3A_39 : vector<2048x256xf32>
    %add3A_41 = arith.addf %add3A_38, %mul3A_40 : vector<2048x256xf32>
    %get3A_42 = arith.constant 512 : index
    %get3A_43 = arith.constant 0 : index
    %get3A_44 = vector.load %arg3[%get3A_42, %get3A_43] : memref<768x256xf32, #tpu.memory_space<vmem>>, vector<256x256xf32>
    %dot_general3A_45 = arith.constant dense<0.000000e+00> : vector<2048x256xf32>
    %dot_general3A_46 = tpu.matmul %add3A_41, %get3A_44, %dot_general3A_45 {dimension_numbers = #tpu.dot_dimension_numbers<[1], [0], [0], [1], [0, 0, 1, 1], [], []>, transpose_lhs_hint = false} : vector<2048x256xf32>, vector<256x256xf32>, vector<2048x256xf32> -> vector<2048x256xf32>
    %get3A_47 = arith.constant 0 : index
    %get3A_48 = arith.constant 0 : index
    %get3A_49 = vector.load %arg8[%get3A_47, %get3A_48] : memref<1x256xf32, #tpu.memory_space<vmem>>, vector<1x256xf32>
    %mul3A_50 = arith.constant 5.000000e-01 : f32
    %mul3A_51 = vector.broadcast %mul3A_50 : f32 to vector<1x256xf32>
    %mul3A_52 = arith.mulf %get3A_49, %mul3A_51 : vector<1x256xf32>
    %add3A_53 = vector.broadcast %mul3A_52 : vector<1x256xf32> to vector<2048x256xf32>
    %add3A_54 = arith.addf %dot_general3A_46, %add3A_53 : vector<2048x256xf32>
    %get3A_55 = arith.constant 0 : index
    %get3A_56 = arith.constant 0 : index
    %get3A_57 = vector.load %arg9[%get3A_55, %get3A_56] : memref<1x256xf32, #tpu.memory_space<vmem>>, vector<1x256xf32>
    %mul3A_58 = vector.broadcast %get3A_57 : vector<1x256xf32> to vector<2048x256xf32>
    %mul3A_59 = arith.mulf %add3A_54, %mul3A_58 : vector<2048x256xf32>
    %add3A_60 = arith.addf %add3A_41, %mul3A_59 : vector<2048x256xf32>
    %tanh3A_61 = math.tanh %add3A_54 : vector<2048x256xf32>
    %mul3A_62 = arith.mulf %mul3A_59, %tanh3A_61 : vector<2048x256xf32>
    %add3A_63 = arith.addf %add3A_60, %mul3A_62 : vector<2048x256xf32>
    %get3A_64 = arith.constant 0 : index
    %get3A_65 = arith.constant 0 : index
    %get3A_66 = vector.load %arg10[%get3A_64, %get3A_65] : memref<256x128xf32, #tpu.memory_space<vmem>>, vector<256x128xf32>
    %dot_general3A_67 = arith.constant dense<0.000000e+00> : vector<2048x128xf32>
    %dot_general3A_68 = tpu.matmul %add3A_63, %get3A_66, %dot_general3A_67 {dimension_numbers = #tpu.dot_dimension_numbers<[1], [0], [0], [1], [0, 0, 1, 1], [], []>, transpose_lhs_hint = false} : vector<2048x256xf32>, vector<256x128xf32>, vector<2048x128xf32> -> vector<2048x128xf32>
    %reshape3A = vector.shape_cast %dot_general3A_68 : vector<2048x128xf32> to vector<16x128x128xf32>
    %iota3A = tpu.iota {dimensions = array<i32: 1>} : vector<16x128x128xi32>
    %iota3A_69 = tpu.iota {dimensions = array<i32: 2>} : vector<16x128x128xi32>
    %eq3A = arith.cmpi eq, %iota3A, %iota3A_69 : vector<16x128x128xi32>
    %jit3A = arith.constant 0.000000e+00 : f32
    %broadcast_in_dim3A = vector.broadcast %jit3A : f32 to vector<16x128x128xf32>
    %select_n3A = arith.select %eq3A, %reshape3A, %broadcast_in_dim3A : vector<16x128x128xi1>, vector<16x128x128xf32>
    %reduce_sum3A = arith.constant dense<0.000000e+00> : vector<16x128xf32>
    %reduce_sum3A_70 = vector.multi_reduction <add>, %select_n3A, %reduce_sum3A [1] : vector<16x128x128xf32> to vector<16x128xf32>
    %get3A_71 = arith.constant 0 : index
    %get3A_72 = arith.constant 0 : index
    %get3A_73 = vector.load %arg11[%get3A_71, %get3A_72] : memref<1x1xf32, #tpu.memory_space<vmem>>, vector<1x1xf32>
    %get3A_74 = vector.extract %get3A_73[0, 0] : f32 from vector<1x1xf32>
    %add3A_75 = vector.broadcast %get3A_74 : f32 to vector<16x128xf32>
    %add3A_76 = arith.addf %reduce_sum3A_70, %add3A_75 : vector<16x128xf32>
    %get3A_77 = arith.constant 0 : index
    %get3A_78 = arith.constant 0 : index
    %get3A_79 = vector.load %arg2[%get3A_77, %get3A_78] : memref<16x128xf32, #tpu.memory_space<vmem>>, vector<16x128xf32>
    %mul3A_80 = arith.mulf %add3A_76, %get3A_79 : vector<16x128xf32>
    %swap3A = arith.constant 0 : index
    %swap3A_81 = arith.constant 0 : index
    %swap3A_82 = vector.load %arg12[%swap3A, %swap3A_81] : memref<16x128xf32, #tpu.memory_space<vmem>>, vector<16x128xf32>
    tpu.vector_store %arg12[%swap3A, %swap3A_81], %mul3A_80 {strides = array<i32>} : memref<16x128xf32, #tpu.memory_space<vmem>>, vector<16x128xf32>,
    return
  }
  func.func @transform_0(%arg0: i32) -> (i32, i32) {
    %add3A = arith.constant 39 : i32
    %add3A_0 = arith.addi %arg0, %add3A : i32
    %c0_i32 = arith.constant 0 : i32
    %c0_i32_1 = arith.constant 0 : i32
    return %add3A_0, %c0_i32 : i32, i32
  }
  func.func @transform_1(%arg0: i32) -> (i32, i32) {
    %add3A = arith.constant 39 : i32
    %add3A_0 = arith.addi %arg0, %add3A : i32
    %c0_i32 = arith.constant 0 : i32
    %c0_i32_1 = arith.constant 0 : i32
    return %add3A_0, %c0_i32 : i32, i32
  }
  func.func @transform_2(%arg0: i32) -> (i32, i32) {
    %c0_i32 = arith.constant 0 : i32
    %c0_i32_0 = arith.constant 0 : i32
    %c0_i32_1 = arith.constant 0 : i32
    return %c0_i32, %c0_i32_0 : i32, i32
  }
  func.func @transform_3(%arg0: i32) -> (i32, i32) {
    %c0_i32 = arith.constant 0 : i32
    %c0_i32_0 = arith.constant 0 : i32
    %c0_i32_1 = arith.constant 0 : i32
    return %c0_i32, %c0_i32_0 : i32, i32
  }
  func.func @transform_4(%arg0: i32) -> (i32, i32) {
    %c0_i32 = arith.constant 0 : i32
    %c0_i32_0 = arith.constant 0 : i32
    %c0_i32_1 = arith.constant 0 : i32
    return %c0_i32, %c0_i32_0 : i32, i32
  }
  func.func @transform_5(%arg0: i32) -> (i32, i32) {
    %c0_i32 = arith.constant 0 : i32
    %c0_i32_0 = arith.constant 0 : i32
    %c0_i32_1 = arith.constant 0 : i32
    return %c0_i32, %c0_i32_0 : i32, i32
  }
  func.func @transform_6(%arg0: i32) -> (i32, i32) {
    %c0_i32 = arith.constant 0 : i32
    %c0_i32_0 = arith.constant 0 : i32
    %c0_i32_1 = arith.constant 0 : i32
    return %c0_i32, %c0_i32_0 : i32, i32
  }
  func.func @transform_7(%arg0: i32) -> (i32, i32) {
    %c0_i32 = arith.constant 0 : i32
    %c0_i32_0 = arith.constant 0 : i32
    %c0_i32_1 = arith.constant 0 : i32
    return %c0_i32, %c0_i32_0 : i32, i32
  }
  func.func @transform_8(%arg0: i32) -> (i32, i32) {
    %c0_i32 = arith.constant 0 : i32
    %c0_i32_0 = arith.constant 0 : i32
    %c0_i32_1 = arith.constant 0 : i32
    return %c0_i32, %c0_i32_0 : i32, i32
  }
  func.func @transform_9(%arg0: i32) -> (i32, i32) {
    %c0_i32 = arith.constant 0 : i32
    %c0_i32_0 = arith.constant 0 : i32
    %c0_i32_1 = arith.constant 0 : i32
    return %c0_i32, %c0_i32_0 : i32, i32
  }
  func.func @transform_10(%arg0: i32) -> (i32, i32) {
    %c0_i32 = arith.constant 0 : i32
    %c0_i32_0 = arith.constant 0 : i32
    %c0_i32_1 = arith.constant 0 : i32
    return %c0_i32, %c0_i32_0 : i32, i32
  }
  func.func @transform_11(%arg0: i32) -> (i32, i32) {
    %c0_i32 = arith.constant 0 : i32
    %c0_i32_0 = arith.constant 0 : i32
    return %arg0, %c0_i32 : i32, i32
  }
}

module attributes {stable_mosaic.version = 14 : i64} {
  func.func @_tail_body(%arg0: i32, %arg1: memref<256x256xf32, #tpu.memory_space<vmem>>, %arg2: memref<32x128xf32, #tpu.memory_space<vmem>>, %arg3: memref<768x256xf32, #tpu.memory_space<vmem>>, %arg4: memref<1x256xf32, #tpu.memory_space<vmem>>, %arg5: memref<1x256xf32, #tpu.memory_space<vmem>>, %arg6: memref<1x256xf32, #tpu.memory_space<vmem>>, %arg7: memref<1x256xf32, #tpu.memory_space<vmem>>, %arg8: memref<1x256xf32, #tpu.memory_space<vmem>>, %arg9: memref<1x256xf32, #tpu.memory_space<vmem>>, %arg10: memref<256x128xf32, #tpu.memory_space<vmem>>, %arg11: memref<1x1xf32, #tpu.memory_space<vmem>>, %arg12: memref<32x128xf32, #tpu.memory_space<vmem>>) attributes {dimension_semantics = [#tpu.dimension_semantics<arbitrary>], iteration_bounds = array<i64: 1>, scalar_prefetch = 0 : i64, scratch_operands = 0 : i64, tpu.core_type = #tpu.core_type<tc>, window_params = [{transform_indices = @transform_0, window_bounds = array<i64: 256, 256>}, {transform_indices = @transform_1, window_bounds = array<i64: 32, 128>}, {pipeline_mode = #tpu.pipeline_mode<synchronous>, transform_indices = @transform_2, window_bounds = array<i64: 768, 256>}, {pipeline_mode = #tpu.pipeline_mode<synchronous>, transform_indices = @transform_3, window_bounds = array<i64: 1, 256>}, {pipeline_mode = #tpu.pipeline_mode<synchronous>, transform_indices = @transform_4, window_bounds = array<i64: 1, 256>}, {pipeline_mode = #tpu.pipeline_mode<synchronous>, transform_indices = @transform_5, window_bounds = array<i64: 1, 256>}, {pipeline_mode = #tpu.pipeline_mode<synchronous>, transform_indices = @transform_6, window_bounds = array<i64: 1, 256>}, {pipeline_mode = #tpu.pipeline_mode<synchronous>, transform_indices = @transform_7, window_bounds = array<i64: 1, 256>}, {pipeline_mode = #tpu.pipeline_mode<synchronous>, transform_indices = @transform_8, window_bounds = array<i64: 1, 256>}, {pipeline_mode = #tpu.pipeline_mode<synchronous>, transform_indices = @transform_9, window_bounds = array<i64: 256, 128>}, {pipeline_mode = #tpu.pipeline_mode<synchronous>, transform_indices = @transform_10, window_bounds = array<i64: 1, 1>}, {pipeline_mode = #tpu.pipeline_mode<synchronous>, transform_indices = @transform_11, window_bounds = array<i64: 32, 128>}]} {
    %get3A = arith.constant 0 : index
    %get3A_0 = arith.constant 0 : index
    %get3A_1 = vector.load %arg1[%get3A, %get3A_0] : memref<256x256xf32, #tpu.memory_space<vmem>>, vector<256x256xf32>
    %get3A_2 = arith.constant 0 : index
    %get3A_3 = arith.constant 0 : index
    %get3A_4 = vector.load %arg3[%get3A_2, %get3A_3] : memref<768x256xf32, #tpu.memory_space<vmem>>, vector<256x256xf32>
    %dot_general3A = arith.constant dense<0.000000e+00> : vector<256x256xf32>
    %dot_general3A_5 = tpu.matmul %get3A_1, %get3A_4, %dot_general3A {dimension_numbers = #tpu.dot_dimension_numbers<[1], [0], [0], [1], [0, 0, 1, 1], [], []>, transpose_lhs_hint = false} : vector<256x256xf32>, vector<256x256xf32>, vector<256x256xf32> -> vector<256x256xf32>
    %get3A_6 = arith.constant 0 : index
    %get3A_7 = arith.constant 0 : index
    %get3A_8 = vector.load %arg4[%get3A_6, %get3A_7] : memref<1x256xf32, #tpu.memory_space<vmem>>, vector<1x256xf32>
    %mul3A = arith.constant 5.000000e-01 : f32
    %mul3A_9 = vector.broadcast %mul3A : f32 to vector<1x256xf32>
    %mul3A_10 = arith.mulf %get3A_8, %mul3A_9 : vector<1x256xf32>
    %add3A = vector.broadcast %mul3A_10 : vector<1x256xf32> to vector<256x256xf32>
    %add3A_11 = arith.addf %dot_general3A_5, %add3A : vector<256x256xf32>
    %get3A_12 = arith.constant 0 : index
    %get3A_13 = arith.constant 0 : index
    %get3A_14 = vector.load %arg5[%get3A_12, %get3A_13] : memref<1x256xf32, #tpu.memory_space<vmem>>, vector<1x256xf32>
    %mul3A_15 = vector.broadcast %get3A_14 : vector<1x256xf32> to vector<256x256xf32>
    %mul3A_16 = arith.mulf %add3A_11, %mul3A_15 : vector<256x256xf32>
    %add3A_17 = arith.addf %get3A_1, %mul3A_16 : vector<256x256xf32>
    %tanh3A = math.tanh %add3A_11 : vector<256x256xf32>
    %mul3A_18 = arith.mulf %mul3A_16, %tanh3A : vector<256x256xf32>
    %add3A_19 = arith.addf %add3A_17, %mul3A_18 : vector<256x256xf32>
    %get3A_20 = arith.constant 256 : index
    %get3A_21 = arith.constant 0 : index
    %get3A_22 = vector.load %arg3[%get3A_20, %get3A_21] : memref<768x256xf32, #tpu.memory_space<vmem>>, vector<256x256xf32>
    %dot_general3A_23 = arith.constant dense<0.000000e+00> : vector<256x256xf32>
    %dot_general3A_24 = tpu.matmul %add3A_19, %get3A_22, %dot_general3A_23 {dimension_numbers = #tpu.dot_dimension_numbers<[1], [0], [0], [1], [0, 0, 1, 1], [], []>, transpose_lhs_hint = false} : vector<256x256xf32>, vector<256x256xf32>, vector<256x256xf32> -> vector<256x256xf32>
    %get3A_25 = arith.constant 0 : index
    %get3A_26 = arith.constant 0 : index
    %get3A_27 = vector.load %arg6[%get3A_25, %get3A_26] : memref<1x256xf32, #tpu.memory_space<vmem>>, vector<1x256xf32>
    %mul3A_28 = arith.constant 5.000000e-01 : f32
    %mul3A_29 = vector.broadcast %mul3A_28 : f32 to vector<1x256xf32>
    %mul3A_30 = arith.mulf %get3A_27, %mul3A_29 : vector<1x256xf32>
    %add3A_31 = vector.broadcast %mul3A_30 : vector<1x256xf32> to vector<256x256xf32>
    %add3A_32 = arith.addf %dot_general3A_24, %add3A_31 : vector<256x256xf32>
    %get3A_33 = arith.constant 0 : index
    %get3A_34 = arith.constant 0 : index
    %get3A_35 = vector.load %arg7[%get3A_33, %get3A_34] : memref<1x256xf32, #tpu.memory_space<vmem>>, vector<1x256xf32>
    %mul3A_36 = vector.broadcast %get3A_35 : vector<1x256xf32> to vector<256x256xf32>
    %mul3A_37 = arith.mulf %add3A_32, %mul3A_36 : vector<256x256xf32>
    %add3A_38 = arith.addf %add3A_19, %mul3A_37 : vector<256x256xf32>
    %tanh3A_39 = math.tanh %add3A_32 : vector<256x256xf32>
    %mul3A_40 = arith.mulf %mul3A_37, %tanh3A_39 : vector<256x256xf32>
    %add3A_41 = arith.addf %add3A_38, %mul3A_40 : vector<256x256xf32>
    %get3A_42 = arith.constant 512 : index
    %get3A_43 = arith.constant 0 : index
    %get3A_44 = vector.load %arg3[%get3A_42, %get3A_43] : memref<768x256xf32, #tpu.memory_space<vmem>>, vector<256x256xf32>
    %dot_general3A_45 = arith.constant dense<0.000000e+00> : vector<256x256xf32>
    %dot_general3A_46 = tpu.matmul %add3A_41, %get3A_44, %dot_general3A_45 {dimension_numbers = #tpu.dot_dimension_numbers<[1], [0], [0], [1], [0, 0, 1, 1], [], []>, transpose_lhs_hint = false} : vector<256x256xf32>, vector<256x256xf32>, vector<256x256xf32> -> vector<256x256xf32>
    %get3A_47 = arith.constant 0 : index
    %get3A_48 = arith.constant 0 : index
    %get3A_49 = vector.load %arg8[%get3A_47, %get3A_48] : memref<1x256xf32, #tpu.memory_space<vmem>>, vector<1x256xf32>
    %mul3A_50 = arith.constant 5.000000e-01 : f32
    %mul3A_51 = vector.broadcast %mul3A_50 : f32 to vector<1x256xf32>
    %mul3A_52 = arith.mulf %get3A_49, %mul3A_51 : vector<1x256xf32>
    %add3A_53 = vector.broadcast %mul3A_52 : vector<1x256xf32> to vector<256x256xf32>
    %add3A_54 = arith.addf %dot_general3A_46, %add3A_53 : vector<256x256xf32>
    %get3A_55 = arith.constant 0 : index
    %get3A_56 = arith.constant 0 : index
    %get3A_57 = vector.load %arg9[%get3A_55, %get3A_56] : memref<1x256xf32, #tpu.memory_space<vmem>>, vector<1x256xf32>
    %mul3A_58 = vector.broadcast %get3A_57 : vector<1x256xf32> to vector<256x256xf32>
    %mul3A_59 = arith.mulf %add3A_54, %mul3A_58 : vector<256x256xf32>
    %add3A_60 = arith.addf %add3A_41, %mul3A_59 : vector<256x256xf32>
    %tanh3A_61 = math.tanh %add3A_54 : vector<256x256xf32>
    %mul3A_62 = arith.mulf %mul3A_59, %tanh3A_61 : vector<256x256xf32>
    %add3A_63 = arith.addf %add3A_60, %mul3A_62 : vector<256x256xf32>
    %get3A_64 = arith.constant 0 : index
    %get3A_65 = arith.constant 0 : index
    %get3A_66 = vector.load %arg10[%get3A_64, %get3A_65] : memref<256x128xf32, #tpu.memory_space<vmem>>, vector<256x128xf32>
    %dot_general3A_67 = arith.constant dense<0.000000e+00> : vector<256x128xf32>
    %dot_general3A_68 = tpu.matmul %add3A_63, %get3A_66, %dot_general3A_67 {dimension_numbers = #tpu.dot_dimension_numbers<[1], [0], [0], [1], [0, 0, 1, 1], [], []>, transpose_lhs_hint = false} : vector<256x256xf32>, vector<256x128xf32>, vector<256x128xf32> -> vector<256x128xf32>
    %reshape3A = vector.shape_cast %dot_general3A_68 : vector<256x128xf32> to vector<2x128x128xf32>
    %iota3A = tpu.iota {dimensions = array<i32: 1>} : vector<2x128x128xi32>
    %iota3A_69 = tpu.iota {dimensions = array<i32: 2>} : vector<2x128x128xi32>
    %eq3A = arith.cmpi eq, %iota3A, %iota3A_69 : vector<2x128x128xi32>
    %jit3A = arith.constant 0.000000e+00 : f32
    %broadcast_in_dim3A = vector.broadcast %jit3A : f32 to vector<2x128x128xf32>
    %select_n3A = arith.select %eq3A, %reshape3A, %broadcast_in_dim3A : vector<2x128x128xi1>, vector<2x128x128xf32>
    %reduce_sum3A = arith.constant dense<0.000000e+00> : vector<2x128xf32>
    %reduce_sum3A_70 = vector.multi_reduction <add>, %select_n3A, %reduce_sum3A [1] : vector<2x128x128xf32> to vector<2x128xf32>
    %get3A_71 = arith.constant 0 : index
    %get3A_72 = arith.constant 0 : index
    %get3A_73 = vector.load %arg11[%get3A_71, %get3A_72] : memref<1x1xf32, #tpu.memory_space<vmem>>, vector<1x1xf32>
    %get3A_74 = vector.extract %get3A_73[0, 0] : f32 from vector<1x1xf32>
    %add3A_75 = vector.broadcast %get3A_74 : f32 to vector<2x128xf32>
    %add3A_76 = arith.addf %reduce_sum3A_70, %add3A_75 : vector<2x128xf32>
    %get3A_77 = arith.constant 0 : index
    %get3A_78 = arith.constant 0 : index
    %get3A_79 = vector.load %arg2[%get3A_77, %get3A_78] : memref<32x128xf32, #tpu.memory_space<vmem>>, vector<2x128xf32>
    %mul3A_80 = arith.mulf %add3A_76, %get3A_79 : vector<2x128xf32>
    %broadcast_in_dim3A_81 = arith.constant 0.000000e+00 : f32
    %broadcast_in_dim3A_82 = vector.broadcast %broadcast_in_dim3A_81 : f32 to vector<30x128xf32>
    %concatenate3A = tpu.concatenate %mul3A_80, %broadcast_in_dim3A_82 in 0 : vector<2x128xf32>, vector<30x128xf32> -> vector<32x128xf32>
    %swap3A = arith.constant 0 : index
    %swap3A_83 = arith.constant 0 : index
    %swap3A_84 = vector.load %arg12[%swap3A, %swap3A_83] : memref<32x128xf32, #tpu.memory_space<vmem>>, vector<32x128xf32>
    tpu.vector_store %arg12[%swap3A, %swap3A_83], %concatenate3A {strides = array<i32>} : memref<32x128xf32, #tpu.memory_space<vmem>>, vector<32x128xf32>,
    return
  }
  func.func @transform_0(%arg0: i32) -> (i32, i32) {
    %c624_i32 = arith.constant 624 : i32
    %c0_i32 = arith.constant 0 : i32
    %c0_i32_0 = arith.constant 0 : i32
    return %c624_i32, %c0_i32 : i32, i32
  }
  func.func @transform_1(%arg0: i32) -> (i32, i32) {
    %c39_i32 = arith.constant 39 : i32
    %c0_i32 = arith.constant 0 : i32
    %c0_i32_0 = arith.constant 0 : i32
    return %c39_i32, %c0_i32 : i32, i32
  }
  func.func @transform_2(%arg0: i32) -> (i32, i32) {
    %c0_i32 = arith.constant 0 : i32
    %c0_i32_0 = arith.constant 0 : i32
    %c0_i32_1 = arith.constant 0 : i32
    return %c0_i32, %c0_i32_0 : i32, i32
  }
  func.func @transform_3(%arg0: i32) -> (i32, i32) {
    %c0_i32 = arith.constant 0 : i32
    %c0_i32_0 = arith.constant 0 : i32
    %c0_i32_1 = arith.constant 0 : i32
    return %c0_i32, %c0_i32_0 : i32, i32
  }
  func.func @transform_4(%arg0: i32) -> (i32, i32) {
    %c0_i32 = arith.constant 0 : i32
    %c0_i32_0 = arith.constant 0 : i32
    %c0_i32_1 = arith.constant 0 : i32
    return %c0_i32, %c0_i32_0 : i32, i32
  }
  func.func @transform_5(%arg0: i32) -> (i32, i32) {
    %c0_i32 = arith.constant 0 : i32
    %c0_i32_0 = arith.constant 0 : i32
    %c0_i32_1 = arith.constant 0 : i32
    return %c0_i32, %c0_i32_0 : i32, i32
  }
  func.func @transform_6(%arg0: i32) -> (i32, i32) {
    %c0_i32 = arith.constant 0 : i32
    %c0_i32_0 = arith.constant 0 : i32
    %c0_i32_1 = arith.constant 0 : i32
    return %c0_i32, %c0_i32_0 : i32, i32
  }
  func.func @transform_7(%arg0: i32) -> (i32, i32) {
    %c0_i32 = arith.constant 0 : i32
    %c0_i32_0 = arith.constant 0 : i32
    %c0_i32_1 = arith.constant 0 : i32
    return %c0_i32, %c0_i32_0 : i32, i32
  }
  func.func @transform_8(%arg0: i32) -> (i32, i32) {
    %c0_i32 = arith.constant 0 : i32
    %c0_i32_0 = arith.constant 0 : i32
    %c0_i32_1 = arith.constant 0 : i32
    return %c0_i32, %c0_i32_0 : i32, i32
  }
  func.func @transform_9(%arg0: i32) -> (i32, i32) {
    %c0_i32 = arith.constant 0 : i32
    %c0_i32_0 = arith.constant 0 : i32
    %c0_i32_1 = arith.constant 0 : i32
    return %c0_i32, %c0_i32_0 : i32, i32
  }
  func.func @transform_10(%arg0: i32) -> (i32, i32) {
    %c0_i32 = arith.constant 0 : i32
    %c0_i32_0 = arith.constant 0 : i32
    %c0_i32_1 = arith.constant 0 : i32
    return %c0_i32, %c0_i32_0 : i32, i32
  }
  func.func @transform_11(%arg0: i32) -> (i32, i32) {
    %c0_i32 = arith.constant 0 : i32
    %c0_i32_0 = arith.constant 0 : i32
    %c0_i32_1 = arith.constant 0 : i32
    return %c0_i32, %c0_i32_0 : i32, i32
  }
}

</mosaic_0001>

<sc_bundles>
// kernel: kernel.10.cloned.1.call-start
scs
__scs_entry_jumppad:
0x0: {  	(pc) =	sbr.rel $0x88, $3  }
0x1: {  	(tag) =	ssettag $0x0;
	lr =	simm.s32 $0x1  }
0x2: {  	[smem:$0x3F93] =	sst lr;
	_ =	strace $0xD0000000  }
0x3: {  	_ = 	snop  }
0x4: {  	_ = 	snop  }
0x5: {  	_ = 	snop  }
0x6: {  	_ = 	snop  }
0x7: {  	_ = 	snop  }
__scs_overlays_trampoline_lowered:
0x8: {  	[smem:$0x3FA2] =	sst s0  }
0x9: {  	[smem:$0x3FA3] =	sst s1  }
0xa: {  	[smem:$0x3FA4] =	sst s2  }
0xb: {  	[smem:$0x3FA5] =	sst s3  }
0xc: {  	[smem:$0x3FA6] =	sst s4  }
0xd: {  	[smem:$0x3FA7] =	sst s5  }
0xe: {  	[smem:$0x3FA8] =	sst s6  }
0xf: {  	[smem:$0x3FA9] =	sst s7  }
0x10: {  	[smem:$0x3FAA] =	sst s8  }
0x11: {  	[smem:$0x3FAB] =	sst s9;
	s0 =	simm.s32 @!p0 $0x0  }
0x12: {  	s1 =	sld [smem:$0x3F91];
	s0 =	simm.s32 @p0 $0x1  }
0x13: {  	[smem:$0x3FAC] =	sst s0;
	s0 =	simm.s32 @!p1 $0x0  }
0x14: {  	s2 =	sld [smem:$0x3F90];
	s0 =	simm.s32 @p1 $0x1  }
0x15: {  	[smem:$0x3FAD] =	sst s0;
	s0 =	simm.s32 @!p2 $0x0  }
0x16: {  	s3 =	sld [smem:$0x3FDB];
	s0 =	simm.s32 @p2 $0x1  }
0x17: {  	s4 =	simm.s32 $0x1BF5;
	[smem:$0x3FAF] =	sst s0  }
0x18: {  	s0 =	sld [smem:$0x3F92];
	_ =	swait.ge [sflag:s4], $0x0  }
0x19: {  	s7 =	sld [smem:$0x3F93]  }
0x1a: {  	s8 =	sadd.s32 $0xFFFFE003, lr  }
0x1b: {  	s9 =	sadd.s32 $0xFFFFFEF7, lr;
	s5 =	simm.s32 $0xFFFFFFFF;
	p2 =	slt.u32 s8, $0xFFFFF086  }
0x1c: {  	p1 =	slt.u32 s9, $0xF7A;
	s5 =	simm.s32 @!p2 $0x0  }
0x1d: {  	s5 =	simm.s32 @p1 $0x1;
	p0 =	seq.s32 s7, s2  }
0x1e: {  	s7 =	smul.u32 @!p0 $0xF7A, s2;
	p2 =	seq.s32 @!p0 s5, $0x0  }
0x1f: {  	s9 =	smul.u32 $0xF7A, s1;
	s8 =	simm.s32 @!p0 $0x1BF5;
	p2 =	por !p2, p0  }
0x20: {  	[sflag:s8] =	ssyncset.s32 @!p0 $0xFFFFF086;
	s6 =	sadd.s32 @!p0 s3, s7;
	s7 =	simm.s32 @!p0 $0x108  }
0x21: {  	s3 =	sadd.s32 s3, s9;
	s6 =	sadd.s32 @!p0 $0x88, s6;
	s7 =	simm.s32 @p2 $0x1082  }
0x22: {  	[simem:s7], [sflag:s8] =	dma.local @!p0 [hbm:s6], $0xF7A  }
0x23: {  	s9 =	sor.u32 $0xD0000000, s2;
	s6 =	simm.s32 $0x108;
	_ =	swait.ge @!p0 [sflag:s8], $0x0  }
0x24: {  	s3 =	sadd.s32 $0x88, s3;
	s6 =	simm.s32 @!p1 $0x1082;
	[sflag:s4] =	ssyncset.s32 $0xFFFFF086  }
0x25: {  	[simem:s6], [sflag:s4] =	dma.local [hbm:s3], $0xF7A  }
0x26: {  	[smem:$0x3F93] =	sst s1;
	(tag) =	ssettag s2;
	_ =	strace s9  }
0x27: {  	s1 =	sld [smem:$0x3FA3]  }
0x28: {  	s2 =	sld [smem:$0x3FA4]  }
0x29: {  	s4 =	sld [smem:$0x3FA6]  }
0x2a: {  	p0 =	seq.s32 s5, $0x0;
	s5 =	sld [smem:$0x3FA7]  }
0x2b: {  	s6 =	sld [smem:$0x3FA8]  }
0x2c: {  	s7 =	sld [smem:$0x3FA9]  }
0x2d: {  	s3 =	simm.s32 $0x108;
	s8 =	sld [smem:$0x3FAA]  }
0x2e: {  	s3 =	simm.s32 @!p0 $0x1082;
	s9 =	sld [smem:$0x3FAB]  }
0x2f: {  	lr =	sadd.s32 s0, s3;
	s0 =	sld [smem:$0x3FA2]  }
0x30: {  	s3 =	sld [smem:$0x3FA5]  }
0x31: {  	[smem:$0x3FAE] =	sst s10  }
0x32: {  	s10 =	sld [smem:$0x3FAC];
	_ =	sdelay $0x3  }
0x33: {  	p0 =	seq.s32 s10, $0x1;
	s10 =	sld [smem:$0x3FAE];
	_ =	sdelay $0x3  }
0x34: {  	[smem:$0x3FAE] =	sst s10  }
0x35: {  	s10 =	sld [smem:$0x3FAD];
	_ =	sdelay $0x3  }
0x36: {  	p1 =	seq.s32 s10, $0x1;
	s10 =	sld [smem:$0x3FAE];
	_ =	sdelay $0x3  }
0x37: {  	[smem:$0x3FAE] =	sst s10  }
0x38: {  	s10 =	sld [smem:$0x3FAF]  }
0x39: {  	_ = 	snop;
	(pc) =	sbr.ind lr, $3  }
0x3a: {  	_ = 	snop  }
0x3b: {  	_ = 	snop  }
0x3c: {  	p2 =	seq.s32 s10, $0x1;
	s10 =	sld [smem:$0x3FAE]  }
0x3d: {  	_ =	shalt  }
0x3e: {  	_ =	shalt  }
0x3f: {  	_ =	shalt  }
0x40: {  	_ =	shalt  }
0x41: {  	_ =	shalt  }
0x42: {  	_ =	shalt  }
0x43: {  	_ =	shalt  }
0x44: {  	_ =	shalt  }
0x45: {  	_ =	shalt  }
0x46: {  	_ =	shalt  }
0x47: {  	_ =	shalt  }
0x48: {  	_ =	shalt  }
0x49: {  	_ =	shalt  }
0x4a: {  	_ =	shalt  }
0x4b: {  	_ =	shalt  }
0x4c: {  	_ =	shalt  }
0x4d: {  	_ =	shalt  }
0x4e: {  	_ =	shalt  }
0x4f: {  	_ =	shalt  }
0x50: {  	_ =	shalt  }
0x51: {  	_ =	shalt  }
0x52: {  	_ =	shalt  }
0x53: {  	_ =	shalt  }
0x54: {  	_ =	shalt  }
0x55: {  	_ =	shalt  }
0x56: {  	_ =	shalt  }
0x57: {  	_ =	shalt  }
0x58: {  	_ =	shalt  }
0x59: {  	_ =	shalt  }
0x5a: {  	_ =	shalt  }
0x5b: {  	_ =	shalt  }
0x5c: {  	_ =	shalt  }
0x5d: {  	_ =	shalt  }
0x5e: {  	_ =	shalt  }
0x5f: {  	_ =	shalt  }
0x60: {  	_ =	shalt  }
0x61: {  	_ =	shalt  }
0x62: {  	_ =	shalt  }
0x63: {  	_ =	shalt  }
0x64: {  	_ =	shalt  }
0x65: {  	_ =	shalt  }
0x66: {  	_ =	shalt  }
0x67: {  	_ =	shalt  }
0x68: {  	_ =	shalt  }
0x69: {  	_ =	shalt  }
0x6a: {  	_ =	shalt  }
0x6b: {  	_ =	shalt  }
0x6c: {  	_ =	shalt  }
0x6d: {  	_ =	shalt  }
0x6e: {  	_ =	shalt  }
0x6f: {  	_ =	shalt  }
0x70: {  	_ =	shalt  }
0x71: {  	_ =	shalt  }
0x72: {  	_ =	shalt  }
0x73: {  	_ =	shalt  }
0x74: {  	_ =	shalt  }
0x75: {  	_ =	shalt  }
0x76: {  	_ =	shalt  }
0x77: {  	_ =	shalt  }
0x78: {  	_ =	shalt  }
0x79: {  	_ =	shalt  }
0x7a: {  	_ =	shalt  }
0x7b: {  	_ =	shalt  }
0x7c: {  	_ =	shalt  }
0x7d: {  	_ =	shalt  }
0x7e: {  	_ =	shalt  }
0x7f: {  	_ =	shalt  }
0x80: {  	_ =	shalt  }
0x81: {  	_ =	shalt  }
0x82: {  	_ =	shalt  }
0x83: {  	_ =	shalt  }
0x84: {  	_ =	shalt  }
0x85: {  	_ =	shalt  }
0x86: {  	_ =	shalt  }
0x87: {  	_ =	shalt  }
.Lfunc_end0:
.L_simem_size_0:
called_computation.1_lowered:
.L_overlay_start_0:
0x88: {  	s2 =	sld [smem:$0x3FD9]  }
0x89: {  	s3 =	sld [smem:$0x3FFE];
	_ =	sdelay $0x1  }
0x8a: {  	s1 =	srdreg.scid  }
0x8b: {  	s0 =	sand.u32 $0x1, s1  }
0x8c: {  	s17 =	sshll.u32 s0, $0xA;
	s2 =	sadd.s32 s3, s2  }
0x8d: {  	s2 =	sadd.s32 s2, s17  }
0x8e: {  	[smem:$0x3FBA] =	sst s2  }
0x8f: {  	_ = 	snop  }
0x90: {  	s4 =	sld [smem:$0x3FC8]  }
0x91: {  	s18 =	sld [smem:$0x3FD0];
	(tm) =	ssettm $0x1  }
0x92: {  	s19 =	sld [smem:$0x3FFB];
	_ =	sdelay $0x3  }
0x93: {  	_ =	strace s19  }
0x94: {  	s2 =	sld [smem:$0x3FFC];
	_ =	sdelay $0x3  }
0x95: {  	_ =	strace s2  }
0x96: {  	s2 =	sld [smem:$0x3FFD];
	_ =	sdelay $0x3  }
0x97: {  	_ =	strace s2  }
0x98: {  	_ =	strace $0x8FFFFFFF  }
0x99: {  	s20 =	sld [smem:$0x3FDB];
	_ =	sdelay $0x1  }
0x9a: {  	s5 =	simm.s32 $_scs_section_size  }
0x9b: {  	s6 =	simm.s32 $_size__tile_overlayer_lowered;
	s7 =	simm.s32 $_tile_overlayer_lowered  }
0x9c: {  	s8 =	simm.s32 $0x1BFF;
	s21 =	sshll.u32 s7, $0x1;
	s5 =	sadd.s32 s5, s20  }
0x9d: {  	s22 =	simm.s32 $0x0;
	s6 =	sshll.u32 s6, $0x1;
	s7 =	sadd.s32 s21, s5  }
0x9e: {  	[timem:s22], [sflag:s8] =	dma.local [hbm:s7], s6  }
0x9f: {  	_ =	swait.ge [sflag:s8], s6  }
0xa0: {  	s6 =	ssub.s32 $0x0, s6;
	[sflag:s8] =	ssyncset.done $0x0  }
0xa1: {  	[sflag:s8] =	ssyncadd.s32 s6;
	_ =	sdelay $0x1  }
0xa2: {  	s23 =	simm.s32 $0x1B8B  }
0xa3: {  	_ =	swait.ge [sflag:s23], $0x1  }
0xa4: {  	[sflag:s23] =	ssyncset.done $0x0  }
0xa5: {  	[sflag:s23] =	ssyncadd.s32 $0xFFFFFFFF  }
0xa6: {  	s6 =	sld [smem:$0x0]  }
0xa7: {  	s7 =	sand.u32 $0xFFFFFFFE, s1  }
0xa8: {  	p0 =	sne.s32 s1, s7  }
0xa9: {  	s7 =	sshll.u32 @p0 s7, $0xE  }
0xaa: {  	s7 =	sadd.s32 @p0 $0x11B8D, s7;
	s8 =	sshll.u32 @p0 s6, $0x11  }
0xab: {  	s7 =	sor.u32 @p0 s8, s7  }
0xac: {  	[sflag:s7] =	ssyncadd.remote.s32 @p0 $0x1;
	_ =	sdelay $0x1  }
0xad: {  	s7 =	simm.s32 @p0 $0x1B8D  }
0xae: {  	_ =	swait.eq @p0 [sflag:s7], $0x1  }
0xaf: {  	[sflag:s7] =	ssyncadd.s32 @p0 $0xFFFFFFFF  }
0xb0: {  	s8 =	sshll.u32 @!p0 s1, $0xE  }
0xb1: {  	s8 =	sor.u32 @!p0 $0x4000, s8;
	s7 =	simm.s32 @!p0 $0x1B8D  }
0xb2: {  	s6 =	sshll.u32 @!p0 s6, $0x11;
	s8 =	sadd.s32 @!p0 $0x11B8D, s8;
	_ =	swait.eq @!p0 [sflag:s7], $0x1  }
0xb3: {  	s6 =	sor.u32 @!p0 s6, s8;
	[sflag:s7] =	ssyncadd.s32 @!p0 $0xFFFFFFFF  }
0xb4: {  	s25 =	simm.s32 $0x1B8E;
	s24 =	sld [smem:$0x3FFE];
	[sflag:s6] =	ssyncadd.remote.s32 @!p0 $0x1  }
0xb5: {  	s26 =	simm.s32 $execute0_lowered;
	[smem:$0x3FD2] =	sst s25  }
0xb6: {  	s7 =	sshll.u32 s26, $0x1;
	_ =	strace $0x80000049;
	[dreg:$0x1] =	wrdreg $0xFFFFFFFF  }
0xb7: {  	s28 =	simm.s32 $_size_execute0_lowered;
	s5 =	sadd.s32 s5, s7;
	[dreg:$0x0] =	wrdreg $0x0  }
0xb8: {  	s7 =	sshll.u32 s28, $0x1;
	[dreg:$0x2] =	wrdreg s5  }
0xb9: {  	[dreg:$0x3] =	wrdreg s7  }
0xba: {  	[dreg:$0x4] =	wrdreg $0xC0  }
0xbb: {  	_ =	task [dreg:s22], $0x5FFFF  }
0xbc: {  	[dreg:$0x1] =	wrdreg $0xFFFFFFFF  }
0xbd: {  	[dreg:$0x0] =	wrdreg $0x60  }
0xbe: {  	[dreg:$0x2] =	wrdreg s4  }
0xbf: {  	[dreg:$0x3] =	wrdreg s24  }
0xc0: {  	[dreg:$0x4] =	wrdreg s18  }
0xc1: {  	[dreg:$0x5] =	wrdreg $0x17800  }
0xc2: {  	[dreg:$0x6] =	wrdreg $0xA  }
0xc3: {  	_ =	task.clear_ibuf [dreg:s22], $0x7FFFF;
	_ =	strace $0x90000049  }
0xc4: {  	s29 =	simm.s32 $0xA;
	_ =	strace $0x8000004B  }
0xc5: {  	_ =	swait.ge [sflag:s29], $0x1  }
0xc6: {  	[sflag:s29] =	ssyncadd.s32 $0xFFFFFFFF  }
0xc7: {  	_ =	strace $0x9000004B  }
0xc8: {  	_ =	sfence  }
0xc9: {  	s30 =	sld [smem:$0x0];
	_ =	sdelay $0x2  }
0xca: {  	s31 =	sshll.u32 s1, $0xD;
	s1 =	sshrl.u32 s1, $0x2  }
0xcb: {  	s4 =	sand.u32 $0x4000, s31;
	s1 =	sadd.s32 s1, s30  }
0xcc: {  	s0 =	sor.u32 s4, s0;
	s1 =	sshll.u32 s1, $0x11  }
0xcd: {  	s0 =	sor.u32 s1, s0  }
0xce: {  	s0 =	sadd.s32 $0x8F2B, s0  }
0xcf: {  	[sflag:s0] =	ssyncadd.remote.s32 $0x1  }
0xd0: {  	_ =	sfence.sel $0xFFFF  }
0xd1: {  	[dreg:$0x0] =	wrdreg $0xFFFFFFFF;
	(pc) =	sbr.abs _section_cstart, $3  }
0xd2: {  	[dreg:$0x1] =	wrdreg $0xFFFFFFFF  }
0xd3: {  	_ =	task.clear_ibuf [dreg:s22], $0x2FFFF;
	_ =	strace $0x9FFFFFFF  }
0xd4: {  	(tm) =	ssettm $0x7FFFFFFF  }
0xd5: {  	_ =	shalt  }
tec
execute0_lowered:
.L_overlay_start_1:
0x0: {  	(tag) =	ssettag $0x1  }
0x1: {  	s1 =	srdreg.scid;
	s0 =	stileid.u32  }
0x2: {  	s4 =	rddreg [dreg:$0x0];
	s8 =	sand.u32 $0x1, s1;
	s29 =	sshll.u32 s0, $0x1  }
0x3: {  	s10 =	rddreg [dreg:$0x1];
	s6 =	sor.u32 s8, s29  }
0x4: {  	s7 =	rddreg [dreg:$0x2];
	s5 =	smul.u32 $0x9C0, s6  }
0x5: {  	s2 =	rddreg [dreg:$0x3]  }
0x6: {  	s3 =	simm.s32 $0x0;
	s1 =	rddreg [dreg:$0x4];
	s5 =	sshrl.u32 s5, $0x3  }
0x7: {  	[smem:$0x7FF] =	sst s3;
	s4 =	sadd.s32 s4, s5  }
0x8: {  	_ =	strace $0x8000004A;
	s9 =	sadd.s32 s5, s10;
	s5 =	sadd.s32 $0x2700, s4  }
0x9: {  	[tilespmem:s3], [sflag:$0x1] =	stream.linear.gather [hbm4b:s5+s3], $0x9C0, $0x38;
	[tilespmem:$0x1A00] =	vst v63  }
0xa: {  	s11 =	sshll.u32 s6, $0x4;
	s6 =	sadd.s32 $0x4A00, s9;
	s4 =	simm.s32 $0xA80  }
0xb: {  	[tilespmem:s4], [sflag:$0x1] =	stream.linear.gather [hbm4b:s6+s3], $0x9C0, $0x38;
	[tilespmem:$0x1A00] =	vst v63  }
0xc: {  	s12 =	sadd.s32 s11, s10;
	s7 =	sadd.s32 s7, s11;
	s9 =	simm.s32 $0x9C0  }
0xd: {  	[tilespmem:s9], [sflag:$0x1] =	stream.linear.gather [hbm4b:s7+s3], $0x80, $0x38;
	[tilespmem:$0x1A00] =	vst v63  }
0xe: {  	s11 =	sadd.s32 $0x7200, s12;
	s12 =	simm.s32 $0x1440  }
0xf: {  	v0 =	vimm.f32 $0.0e+00;
	[tilespmem:s12], [sflag:$0x1] =	stream.linear.gather [hbm4b:s11+s3], $0x80, $0x38;
	[tilespmem:$0x1A00] =	vst v63  }
0x10: {  	[tilespmem:$0x1770] =	vst v0  }
0x11: {  	[tilespmem:$0x1760] =	vst v0  }
0x12: {  	[tilespmem:$0x1750] =	vst v0  }
0x13: {  	[tilespmem:$0x1740] =	vst v0  }
0x14: {  	[tilespmem:$0x1730] =	vst v0  }
0x15: {  	[tilespmem:$0x1720] =	vst v0  }
0x16: {  	[tilespmem:$0x1710] =	vst v0  }
0x17: {  	[tilespmem:$0x1700] =	vst v0  }
0x18: {  	[tilespmem:$0x16F0] =	vst v0  }
0x19: {  	[tilespmem:$0x16E0] =	vst v0  }
0x1a: {  	[tilespmem:$0x16D0] =	vst v0  }
0x1b: {  	[tilespmem:$0x16C0] =	vst v0  }
0x1c: {  	[tilespmem:$0x16B0] =	vst v0  }
0x1d: {  	[tilespmem:$0x16A0] =	vst v0  }
0x1e: {  	[tilespmem:$0x1690] =	vst v0  }
0x1f: {  	[tilespmem:$0x1680] =	vst v0  }
0x20: {  	s14 =	smul.u32 $0x2800, s8;
	s8 =	ssub.s32 $0x2, s8;
	[tilespmem:$0x1670] =	vst v0  }
0x21: {  	s15 =	sshrl.u32 s8, $0x1;
	[tilespmem:$0x1660] =	vst v0  }
0x22: {  	s30 =	ssub.s32 s8, s15;
	[tilespmem:$0x1650] =	vst v0  }
0x23: {  	s19 =	smax.u32 s30, $0x1;
	[tilespmem:$0x1640] =	vst v0  }
0x24: {  	s13 =	smul.u32 $0x280, s0;
	p0 =	sne.s32 s19, $0x1;
	[tilespmem:$0x1630] =	vst v0  }
.Ltmp0:
0x25: {  	s18 =	simm.s32 $0x1500;
	[tilespmem:$0x1620] =	vst v0;
	(pc) =	sbr.rel @!p0 .LBB2_2-.Ltmp0, $4  }
0x26: {  	s31 =	sshll.u32 s0, $0x6;
	s17 =	sadd.s32 s13, s2;
	s14 =	sadd.s32 s13, s14;
	[tilespmem:$0x1610] =	vst v0  }
0x27: {  	s15 =	simm.s32 $0xA40;
	s13 =	sor.u32 $0x1C02, s31;
	s14 =	sshrl.u32 s14, $0x3;
	[tilespmem:$0x1600] =	vst v0  }
0x28: {  	s16 =	sshrl.u32 s17, $0x3;
	s10 =	sadd.s32 s14, s10;
	s14 =	simm.s32 $0x1;
	[tilespmem:$0x15F0] =	vst v0  }
0x29: {  	s19 =	sadd.s32 $0xFFFFFFFF, s19;
	s8 =	sadd.s32 $0x7400, s10;
	s10 =	simm.s32 $0x2;
	[tilespmem:$0x15E0] =	vst v0  }
.LBB2_1:
0x2a: {  	p0 =	sne.s32 s19, $0x1;
	s19 =	sadd.s32 $0xFFFFFFFF, s19;
	[tilespmem:$0x15D0] =	vst v0  }
0x2b: {  	[tilespmem:$0x15C0] =	vst v0  }
0x2c: {  	[tilespmem:$0x15B0] =	vst v0  }
0x2d: {  	[tilespmem:$0x15A0] =	vst v0  }
0x2e: {  	[tilespmem:$0x1590] =	vst v0  }
0x2f: {  	[tilespmem:$0x1580] =	vst v0  }
0x30: {  	[tilespmem:$0x1570] =	vst v0  }
0x31: {  	[tilespmem:$0x1560] =	vst v0  }
0x32: {  	[tilespmem:$0x1550] =	vst v0  }
0x33: {  	[tilespmem:$0x1540] =	vst v0  }
0x34: {  	[tilespmem:$0x1530] =	vst v0  }
0x35: {  	[tilespmem:$0x1520] =	vst v0  }
0x36: {  	[tilespmem:$0x1500] =	vst v0  }
0x37: {  	[tilespmem:$0x1510] =	vst v0  }
0x38: {  	[spmem:s17] =	stream.linear.scatter [tilespmem:s18], [sflag:$0x2], $0x280, $0x38;
	[tilespmem:$0x1A00] =	vst v63  }
0x39: {  	_ =	swait.ge [sflag:s10], $0x280  }
0x3a: {  	[sflag:s10] =	ssyncset.done $0x0  }
0x3b: {  	[sflag:s10] =	ssyncadd.s32 $0xFFFFFD80  }
0x3c: {  	_ =	swait.ge [sflag:s14], $0x9C0  }
0x3d: {  	[sflag:s14] =	ssyncset.done $0x0  }
0x3e: {  	[sflag:s14] =	ssyncadd.s32 $0xFFFFF640  }
0x3f: {  	_ =	swait.ge [sflag:s14], $0x9C0  }
0x40: {  	[sflag:s14] =	ssyncset.done $0x0  }
0x41: {  	[sflag:s14] =	ssyncadd.s32 $0xFFFFF640  }
0x42: {  	_ =	swait.ge [sflag:s14], $0x80  }
0x43: {  	[sflag:s14] =	ssyncset.done $0x0  }
0x44: {  	[sflag:s14] =	ssyncadd.s32 $0xFFFFFF80  }
0x45: {  	_ =	swait.ge [sflag:s14], $0x80  }
0x46: {  	[sflag:s14] =	ssyncset.done $0x0  }
0x47: {  	[sflag:s14] =	ssyncadd.s32 $0xFFFFFF80  }
0x48: {  	[bflag:$0x0] =	sbarrier.arrive $0xFFFF  }
0x49: {  	[spmem:s2] =	stream.indirect.scatter.add.f32 [tilespmem:s4], [sflag:$0x2], $0x1, s3, s15, $0xb8;
	[tilespmem:$0x1A00] =	vst v63  }
0x4a: {  	_ =	swait.ge [sflag:s10], $0xA40  }
0x4b: {  	[sflag:s10] =	ssyncset.done $0x0  }
0x4c: {  	[sflag:s10] =	ssyncadd.s32 $0xFFFFF5C0  }
0x4d: {  	[bflag:$0x0] =	sbarrier.arrive $0xFFFF  }
0x4e: {  	[hbm:s8], [sflag:s13] =	dma.local [spmem:s16], $0x50  }
0x4f: {  	_ =	swait.ge [sflag:s10], $0x50  }
0x50: {  	[sflag:s10] =	ssyncset.done $0x0  }
0x51: {  	[sflag:s10] =	ssyncadd.s32 $0xFFFFFFB0  }
0x52: {  	[tilespmem:s3], [sflag:$0x1] =	stream.linear.gather [hbm4b:s5+s3], $0x9C0, $0x38;
	[tilespmem:$0x1A00] =	vst v63  }
0x53: {  	_ = 	snop  }
0x54: {  	[tilespmem:s4], [sflag:$0x1] =	stream.linear.gather [hbm4b:s6+s3], $0x9C0, $0x38;
	[tilespmem:$0x1A00] =	vst v63  }
0x55: {  	_ = 	snop  }
0x56: {  	[tilespmem:s9], [sflag:$0x1] =	stream.linear.gather [hbm4b:s7+s3], $0x80, $0x38;
	[tilespmem:$0x1A00] =	vst v63  }
0x57: {  	_ = 	snop  }
0x58: {  	[tilespmem:s12], [sflag:$0x1] =	stream.linear.gather [hbm4b:s11+s3], $0x80, $0x38;
	[tilespmem:$0x1A00] =	vst v63  }
0x59: {  	[tilespmem:$0x1770] =	vst v0  }
0x5a: {  	[tilespmem:$0x1760] =	vst v0  }
0x5b: {  	[tilespmem:$0x1750] =	vst v0  }
0x5c: {  	[tilespmem:$0x1740] =	vst v0  }
0x5d: {  	[tilespmem:$0x1730] =	vst v0  }
0x5e: {  	[tilespmem:$0x1720] =	vst v0  }
0x5f: {  	[tilespmem:$0x1710] =	vst v0  }
0x60: {  	[tilespmem:$0x1700] =	vst v0  }
0x61: {  	[tilespmem:$0x16F0] =	vst v0  }
0x62: {  	[tilespmem:$0x16E0] =	vst v0  }
0x63: {  	[tilespmem:$0x16D0] =	vst v0  }
0x64: {  	[tilespmem:$0x16C0] =	vst v0  }
0x65: {  	[tilespmem:$0x16B0] =	vst v0  }
0x66: {  	[tilespmem:$0x16A0] =	vst v0  }
0x67: {  	[tilespmem:$0x1690] =	vst v0  }
0x68: {  	[tilespmem:$0x1680] =	vst v0  }
0x69: {  	[tilespmem:$0x1670] =	vst v0  }
0x6a: {  	[tilespmem:$0x1660] =	vst v0  }
0x6b: {  	[tilespmem:$0x1650] =	vst v0  }
0x6c: {  	[tilespmem:$0x1640] =	vst v0  }
0x6d: {  	[tilespmem:$0x1630] =	vst v0  }
.Ltmp1:
0x6e: {  	[tilespmem:$0x1620] =	vst v0;
	(pc) =	sbr.rel @p0 .LBB2_1-.Ltmp1, $4  }
0x6f: {  	[tilespmem:$0x1610] =	vst v0  }
0x70: {  	[tilespmem:$0x1600] =	vst v0  }
0x71: {  	[tilespmem:$0x15F0] =	vst v0  }
0x72: {  	[tilespmem:$0x15E0] =	vst v0  }
.LBB2_2:
0x73: {  	[tilespmem:$0x15D0] =	vst v0  }
0x74: {  	[tilespmem:$0x15C0] =	vst v0  }
0x75: {  	[tilespmem:$0x15B0] =	vst v0  }
0x76: {  	[tilespmem:$0x15A0] =	vst v0  }
0x77: {  	[tilespmem:$0x1590] =	vst v0  }
0x78: {  	[tilespmem:$0x1580] =	vst v0  }
0x79: {  	[tilespmem:$0x1570] =	vst v0  }
0x7a: {  	[tilespmem:$0x1560] =	vst v0  }
0x7b: {  	[tilespmem:$0x1550] =	vst v0  }
0x7c: {  	[tilespmem:$0x1540] =	vst v0  }
0x7d: {  	[tilespmem:$0x1530] =	vst v0  }
0x7e: {  	[tilespmem:$0x1520] =	vst v0  }
0x7f: {  	[tilespmem:$0x1500] =	vst v0  }
0x80: {  	[tilespmem:$0x1510] =	vst v0  }
0x81: {  	[spmem:s17] =	stream.linear.scatter [tilespmem:s18], [sflag:$0x2], $0x280, $0x38;
	[tilespmem:$0x1A00] =	vst v63  }
0x82: {  	_ =	swait.ge [sflag:s10], $0x280  }
0x83: {  	[sflag:s10] =	ssyncset.done $0x0  }
0x84: {  	[sflag:s10] =	ssyncadd.s32 $0xFFFFFD80  }
0x85: {  	_ =	swait.ge [sflag:s14], $0x9C0  }
0x86: {  	[sflag:s14] =	ssyncset.done $0x0  }
0x87: {  	[sflag:s14] =	ssyncadd.s32 $0xFFFFF640  }
0x88: {  	_ =	swait.ge [sflag:s14], $0x9C0  }
0x89: {  	[sflag:s14] =	ssyncset.done $0x0  }
0x8a: {  	[sflag:s14] =	ssyncadd.s32 $0xFFFFF640  }
0x8b: {  	_ =	swait.ge [sflag:s14], $0x80  }
0x8c: {  	[sflag:s14] =	ssyncset.done $0x0  }
0x8d: {  	[sflag:s14] =	ssyncadd.s32 $0xFFFFFF80  }
0x8e: {  	_ =	swait.ge [sflag:s14], $0x80  }
0x8f: {  	[sflag:s14] =	ssyncset.done $0x0  }
0x90: {  	[sflag:s14] =	ssyncadd.s32 $0xFFFFFF80  }
0x91: {  	[bflag:$0x0] =	sbarrier.arrive $0xFFFF  }
0x92: {  	[spmem:s2] =	stream.indirect.scatter.add.f32 [tilespmem:s4], [sflag:$0x2], $0x1, s3, s15, $0xb8;
	[tilespmem:$0x1A00] =	vst v63  }
0x93: {  	_ =	swait.ge [sflag:s10], $0xA40  }
0x94: {  	[sflag:s10] =	ssyncset.done $0x0  }
0x95: {  	[sflag:s10] =	ssyncadd.s32 $0xFFFFF5C0  }
0x96: {  	[bflag:$0x0] =	sbarrier.arrive $0xFFFF  }
0x97: {  	[hbm:s8], [sflag:s13] =	dma.local [spmem:s16], $0x50  }
0x98: {  	_ =	swait.ge [sflag:s10], $0x50  }
0x99: {  	[sflag:s10] =	ssyncset.done $0x0  }
0x9a: {  	[sflag:s10] =	ssyncadd.s32 $0xFFFFFFB0  }
0x9b: {  	_ =	sfence.sel $0x180000  }
0x9c: {  	[bflag:$0x0] =	sbarrier.arrive $0xFFFF  }
0x9d: {  	p0 =	sne.s32 s0, $0x0;
	_ =	strace $0x9000004A  }
0x9e: {  	s0 =	sadd.s32 @!p0 $0x100000, s1;
	[bflag:$0x2] =	sbarrier.arrive $0xFFFF  }
0x9f: {  	[sflag:s0] =	ssyncadd.tile.s32 @!p0 $0x1;
	_ =	shalt  }
.Lfunc_end2:
_tile_overlayer_lowered:
.L_overlay_start_2:
0xa0: {  	(tag) =	ssettag $0x2  }
0xa1: {  	s0 =	rddreg [dreg:$0x0];
	s2 =	stileid.u32  }
0xa2: {  	s1 =	rddreg [dreg:$0x1];
	p0 =	sne.s32 s2, $0x0  }
0xa3: {  	s3 =	rddreg [dreg:$0x2];
	[bflag:$0x3] =	sbarrier.arrive $0xFFFF;
	s2 =	simm.s32 @!p0 $0x1C02  }
0xa4: {  	[timem:s3], [sflag:s2] =	dma.local @!p0 [hbm:s0], s1  }
0xa5: {  	s0 =	simm.s32 @!p0 $0x2  }
0xa6: {  	_ =	swait.ge @!p0 [sflag:s0], s1  }
0xa7: {  	s1 =	ssub.s32 @!p0 $0x0, s1;
	[sflag:s0] =	ssyncset.done @!p0 $0x0  }
0xa8: {  	[sflag:s0] =	ssyncadd.s32 @!p0 s1  }
0xa9: {  	[bflag:$0x3] =	sbarrier.arrive $0xFFFF  }
0xaa: {  	_ =	shalt  }

// kernel: kernel.7.cloned.1.call-start
scs
__scs_entry_jumppad:
0x0: {  	(pc) =	sbr.rel $0x88, $3  }
0x1: {  	(tag) =	ssettag $0x0;
	lr =	simm.s32 $0x1  }
0x2: {  	[smem:$0x3F93] =	sst lr;
	_ =	strace $0xD0000000  }
0x3: {  	_ = 	snop  }
0x4: {  	_ = 	snop  }
0x5: {  	_ = 	snop  }
0x6: {  	_ = 	snop  }
0x7: {  	_ = 	snop  }
__scs_overlays_trampoline_lowered:
0x8: {  	[smem:$0x3FA2] =	sst s0  }
0x9: {  	[smem:$0x3FA3] =	sst s1  }
0xa: {  	[smem:$0x3FA4] =	sst s2  }
0xb: {  	[smem:$0x3FA5] =	sst s3  }
0xc: {  	[smem:$0x3FA6] =	sst s4  }
0xd: {  	[smem:$0x3FA7] =	sst s5  }
0xe: {  	[smem:$0x3FA8] =	sst s6  }
0xf: {  	[smem:$0x3FA9] =	sst s7  }
0x10: {  	[smem:$0x3FAA] =	sst s8  }
0x11: {  	[smem:$0x3FAB] =	sst s9;
	s0 =	simm.s32 @!p0 $0x0  }
0x12: {  	s1 =	sld [smem:$0x3F91];
	s0 =	simm.s32 @p0 $0x1  }
0x13: {  	[smem:$0x3FAC] =	sst s0;
	s0 =	simm.s32 @!p1 $0x0  }
0x14: {  	s2 =	sld [smem:$0x3F90];
	s0 =	simm.s32 @p1 $0x1  }
0x15: {  	[smem:$0x3FAD] =	sst s0;
	s0 =	simm.s32 @!p2 $0x0  }
0x16: {  	s3 =	sld [smem:$0x3FDB];
	s0 =	simm.s32 @p2 $0x1  }
0x17: {  	s4 =	simm.s32 $0x1BF5;
	[smem:$0x3FAF] =	sst s0  }
0x18: {  	s0 =	sld [smem:$0x3F92];
	_ =	swait.ge [sflag:s4], $0x0  }
0x19: {  	s7 =	sld [smem:$0x3F93]  }
0x1a: {  	s8 =	sadd.s32 $0xFFFFE003, lr  }
0x1b: {  	s9 =	sadd.s32 $0xFFFFFEF7, lr;
	s5 =	simm.s32 $0xFFFFFFFF;
	p2 =	slt.u32 s8, $0xFFFFF086  }
0x1c: {  	p1 =	slt.u32 s9, $0xF7A;
	s5 =	simm.s32 @!p2 $0x0  }
0x1d: {  	s5 =	simm.s32 @p1 $0x1;
	p0 =	seq.s32 s7, s2  }
0x1e: {  	s7 =	smul.u32 @!p0 $0xF7A, s2;
	p2 =	seq.s32 @!p0 s5, $0x0  }
0x1f: {  	s9 =	smul.u32 $0xF7A, s1;
	s8 =	simm.s32 @!p0 $0x1BF5;
	p2 =	por !p2, p0  }
0x20: {  	[sflag:s8] =	ssyncset.s32 @!p0 $0xFFFFF086;
	s6 =	sadd.s32 @!p0 s3, s7;
	s7 =	simm.s32 @!p0 $0x108  }
0x21: {  	s3 =	sadd.s32 s3, s9;
	s6 =	sadd.s32 @!p0 $0x88, s6;
	s7 =	simm.s32 @p2 $0x1082  }
0x22: {  	[simem:s7], [sflag:s8] =	dma.local @!p0 [hbm:s6], $0xF7A  }
0x23: {  	s9 =	sor.u32 $0xD0000000, s2;
	s6 =	simm.s32 $0x108;
	_ =	swait.ge @!p0 [sflag:s8], $0x0  }
0x24: {  	s3 =	sadd.s32 $0x88, s3;
	s6 =	simm.s32 @!p1 $0x1082;
	[sflag:s4] =	ssyncset.s32 $0xFFFFF086  }
0x25: {  	[simem:s6], [sflag:s4] =	dma.local [hbm:s3], $0xF7A  }
0x26: {  	[smem:$0x3F93] =	sst s1;
	(tag) =	ssettag s2;
	_ =	strace s9  }
0x27: {  	s1 =	sld [smem:$0x3FA3]  }
0x28: {  	s2 =	sld [smem:$0x3FA4]  }
0x29: {  	s4 =	sld [smem:$0x3FA6]  }
0x2a: {  	p0 =	seq.s32 s5, $0x0;
	s5 =	sld [smem:$0x3FA7]  }
0x2b: {  	s6 =	sld [smem:$0x3FA8]  }
0x2c: {  	s7 =	sld [smem:$0x3FA9]  }
0x2d: {  	s3 =	simm.s32 $0x108;
	s8 =	sld [smem:$0x3FAA]  }
0x2e: {  	s3 =	simm.s32 @!p0 $0x1082;
	s9 =	sld [smem:$0x3FAB]  }
0x2f: {  	lr =	sadd.s32 s0, s3;
	s0 =	sld [smem:$0x3FA2]  }
0x30: {  	s3 =	sld [smem:$0x3FA5]  }
0x31: {  	[smem:$0x3FAE] =	sst s10  }
0x32: {  	s10 =	sld [smem:$0x3FAC];
	_ =	sdelay $0x3  }
0x33: {  	p0 =	seq.s32 s10, $0x1;
	s10 =	sld [smem:$0x3FAE];
	_ =	sdelay $0x3  }
0x34: {  	[smem:$0x3FAE] =	sst s10  }
0x35: {  	s10 =	sld [smem:$0x3FAD];
	_ =	sdelay $0x3  }
0x36: {  	p1 =	seq.s32 s10, $0x1;
	s10 =	sld [smem:$0x3FAE];
	_ =	sdelay $0x3  }
0x37: {  	[smem:$0x3FAE] =	sst s10  }
0x38: {  	s10 =	sld [smem:$0x3FAF]  }
0x39: {  	_ = 	snop;
	(pc) =	sbr.ind lr, $3  }
0x3a: {  	_ = 	snop  }
0x3b: {  	_ = 	snop  }
0x3c: {  	p2 =	seq.s32 s10, $0x1;
	s10 =	sld [smem:$0x3FAE]  }
0x3d: {  	_ =	shalt  }
0x3e: {  	_ =	shalt  }
0x3f: {  	_ =	shalt  }
0x40: {  	_ =	shalt  }
0x41: {  	_ =	shalt  }
0x42: {  	_ =	shalt  }
0x43: {  	_ =	shalt  }
0x44: {  	_ =	shalt  }
0x45: {  	_ =	shalt  }
0x46: {  	_ =	shalt  }
0x47: {  	_ =	shalt  }
0x48: {  	_ =	shalt  }
0x49: {  	_ =	shalt  }
0x4a: {  	_ =	shalt  }
0x4b: {  	_ =	shalt  }
0x4c: {  	_ =	shalt  }
0x4d: {  	_ =	shalt  }
0x4e: {  	_ =	shalt  }
0x4f: {  	_ =	shalt  }
0x50: {  	_ =	shalt  }
0x51: {  	_ =	shalt  }
0x52: {  	_ =	shalt  }
0x53: {  	_ =	shalt  }
0x54: {  	_ =	shalt  }
0x55: {  	_ =	shalt  }
0x56: {  	_ =	shalt  }
0x57: {  	_ =	shalt  }
0x58: {  	_ =	shalt  }
0x59: {  	_ =	shalt  }
0x5a: {  	_ =	shalt  }
0x5b: {  	_ =	shalt  }
0x5c: {  	_ =	shalt  }
0x5d: {  	_ =	shalt  }
0x5e: {  	_ =	shalt  }
0x5f: {  	_ =	shalt  }
0x60: {  	_ =	shalt  }
0x61: {  	_ =	shalt  }
0x62: {  	_ =	shalt  }
0x63: {  	_ =	shalt  }
0x64: {  	_ =	shalt  }
0x65: {  	_ =	shalt  }
0x66: {  	_ =	shalt  }
0x67: {  	_ =	shalt  }
0x68: {  	_ =	shalt  }
0x69: {  	_ =	shalt  }
0x6a: {  	_ =	shalt  }
0x6b: {  	_ =	shalt  }
0x6c: {  	_ =	shalt  }
0x6d: {  	_ =	shalt  }
0x6e: {  	_ =	shalt  }
0x6f: {  	_ =	shalt  }
0x70: {  	_ =	shalt  }
0x71: {  	_ =	shalt  }
0x72: {  	_ =	shalt  }
0x73: {  	_ =	shalt  }
0x74: {  	_ =	shalt  }
0x75: {  	_ =	shalt  }
0x76: {  	_ =	shalt  }
0x77: {  	_ =	shalt  }
0x78: {  	_ =	shalt  }
0x79: {  	_ =	shalt  }
0x7a: {  	_ =	shalt  }
0x7b: {  	_ =	shalt  }
0x7c: {  	_ =	shalt  }
0x7d: {  	_ =	shalt  }
0x7e: {  	_ =	shalt  }
0x7f: {  	_ =	shalt  }
0x80: {  	_ =	shalt  }
0x81: {  	_ =	shalt  }
0x82: {  	_ =	shalt  }
0x83: {  	_ =	shalt  }
0x84: {  	_ =	shalt  }
0x85: {  	_ =	shalt  }
0x86: {  	_ =	shalt  }
0x87: {  	_ =	shalt  }
.Lfunc_end0:
.L_simem_size_0:
called_computation_lowered:
.L_overlay_start_0:
0x88: {  	s2 =	sld [smem:$0x3FD9]  }
0x89: {  	s3 =	sld [smem:$0x3FFE];
	_ =	sdelay $0x1  }
0x8a: {  	s1 =	srdreg.scid  }
0x8b: {  	s0 =	sand.u32 $0x1, s1  }
0x8c: {  	s17 =	sshll.u32 s0, $0xA;
	s2 =	sadd.s32 s3, s2  }
0x8d: {  	s2 =	sadd.s32 s2, s17  }
0x8e: {  	[smem:$0x3FBA] =	sst s2  }
0x8f: {  	_ = 	snop  }
0x90: {  	s2 =	sld [smem:$0x3FC8];
	(tm) =	ssettm $0x1  }
0x91: {  	s18 =	sld [smem:$0x3FFB];
	_ =	sdelay $0x3  }
0x92: {  	_ =	strace s18  }
0x93: {  	s3 =	sld [smem:$0x3FFC];
	_ =	sdelay $0x3  }
0x94: {  	_ =	strace s3  }
0x95: {  	s3 =	sld [smem:$0x3FFD];
	_ =	sdelay $0x3  }
0x96: {  	_ =	strace s3  }
0x97: {  	_ =	strace $0x8FFFFFFF  }
0x98: {  	s19 =	sld [smem:$0x3FDB];
	_ =	sdelay $0x1  }
0x99: {  	s4 =	simm.s32 $_scs_section_size  }
0x9a: {  	s5 =	simm.s32 $_size__tile_overlayer_lowered;
	s6 =	simm.s32 $_tile_overlayer_lowered  }
0x9b: {  	s22 =	simm.s32 $0x1BFF;
	s21 =	sshll.u32 s6, $0x1;
	s3 =	sadd.s32 s4, s19  }
0x9c: {  	s7 =	simm.s32 $0x0;
	s20 =	sshll.u32 s5, $0x1;
	s5 =	sadd.s32 s21, s3  }
0x9d: {  	[timem:s7], [sflag:s22] =	dma.local [hbm:s5], s20  }
0x9e: {  	_ =	swait.ge [sflag:s22], s20  }
0x9f: {  	s4 =	ssub.s32 $0x0, s20;
	[sflag:s22] =	ssyncset.done $0x0  }
0xa0: {  	[sflag:s22] =	ssyncadd.s32 s4;
	_ =	sdelay $0x1  }
0xa1: {  	s23 =	simm.s32 $0x1B8B  }
0xa2: {  	_ =	swait.ge [sflag:s23], $0x1  }
0xa3: {  	[sflag:s23] =	ssyncset.done $0x0  }
0xa4: {  	s25 =	simm.s32 $0x1B8E;
	s24 =	sld [smem:$0x3FFE];
	[sflag:s23] =	ssyncadd.s32 $0xFFFFFFFF  }
0xa5: {  	s26 =	simm.s32 $execute0_lowered;
	[smem:$0x3FD2] =	sst s25  }
0xa6: {  	s5 =	sshll.u32 s26, $0x1;
	_ =	strace $0x80000046;
	[dreg:$0x1] =	wrdreg $0xFFFFFFFF  }
0xa7: {  	s28 =	simm.s32 $_size_execute0_lowered;
	s3 =	sadd.s32 s3, s5;
	[dreg:$0x0] =	wrdreg $0x0  }
0xa8: {  	s5 =	sshll.u32 s28, $0x1;
	[dreg:$0x2] =	wrdreg s3  }
0xa9: {  	[dreg:$0x3] =	wrdreg s5  }
0xaa: {  	[dreg:$0x4] =	wrdreg $0xC0  }
0xab: {  	_ =	task [dreg:s7], $0x5FFFF  }
0xac: {  	[dreg:$0x1] =	wrdreg $0xFFFFFFFF  }
0xad: {  	[dreg:$0x0] =	wrdreg $0x60  }
0xae: {  	[dreg:$0x2] =	wrdreg s2  }
0xaf: {  	[dreg:$0x3] =	wrdreg s24  }
0xb0: {  	[dreg:$0x4] =	wrdreg $0x16800  }
0xb1: {  	[dreg:$0x5] =	wrdreg $0x9  }
0xb2: {  	_ =	task.clear_ibuf [dreg:s7], $0x6FFFF;
	_ =	strace $0x90000046  }
0xb3: {  	s29 =	simm.s32 $0x9;
	_ =	strace $0x80000048  }
0xb4: {  	_ =	swait.ge [sflag:s29], $0x1  }
0xb5: {  	[sflag:s29] =	ssyncadd.s32 $0xFFFFFFFF  }
0xb6: {  	_ =	strace $0x90000048  }
0xb7: {  	_ =	sfence  }
0xb8: {  	s30 =	sld [smem:$0x0];
	_ =	sdelay $0x2  }
0xb9: {  	s31 =	sshll.u32 s1, $0xD;
	s1 =	sshrl.u32 s1, $0x2  }
0xba: {  	s3 =	sand.u32 $0x4000, s31;
	s1 =	sadd.s32 s1, s30  }
0xbb: {  	s0 =	sor.u32 s3, s0;
	s1 =	sshll.u32 s1, $0x11  }
0xbc: {  	s0 =	sor.u32 s1, s0  }
0xbd: {  	s0 =	sadd.s32 $0x8F2B, s0  }
0xbe: {  	[sflag:s0] =	ssyncadd.remote.s32 $0x1  }
0xbf: {  	_ =	sfence.sel $0xFFFF  }
0xc0: {  	[dreg:$0x0] =	wrdreg $0xFFFFFFFF;
	(pc) =	sbr.abs _section_cstart, $3  }
0xc1: {  	[dreg:$0x1] =	wrdreg $0xFFFFFFFF  }
0xc2: {  	_ =	task.clear_ibuf [dreg:s7], $0x2FFFF;
	_ =	strace $0x9FFFFFFF  }
0xc3: {  	(tm) =	ssettm $0x7FFFFFFF  }
tec
execute0_lowered:
.L_overlay_start_1:
0x0: {  	(tag) =	ssettag $0x1  }
0x1: {  	s4 =	rddreg [dreg:$0x0]  }
0x2: {  	s1 =	srdreg.scid;
	s0 =	stileid.u32  }
0x3: {  	s5 =	rddreg [dreg:$0x1];
	s6 =	sand.u32 $0x1, s1;
	s30 =	sshll.u32 s0, $0x1  }
0x4: {  	s2 =	rddreg [dreg:$0x2];
	s7 =	sor.u32 s6, s30  }
0x5: {  	s3 =	simm.s32 $0x0;
	s1 =	rddreg [dreg:$0x3];
	s7 =	smul.u32 $0x138, s7  }
0x6: {  	[smem:$0x7FF] =	sst s3  }
0x7: {  	_ =	strace $0x80000047;
	s8 =	sadd.s32 s7, s5;
	s7 =	sadd.s32 s4, s7  }
0x8: {  	[tilespmem:s3], [sflag:$0x1] =	stream.linear.gather [hbm4b:s7+s3], $0x9C0, $0x38;
	[tilespmem:$0x1900] =	vst v63  }
0x9: {  	s4 =	simm.s32 $0xA00;
	s8 =	sadd.s32 $0x1800, s8  }
0xa: {  	v0 =	vimm.f32 $0.0e+00;
	[tilespmem:s4], [sflag:$0x1] =	stream.linear.gather [hbm4b:s8+s3], $0x9C0, $0x38;
	[tilespmem:$0x1900] =	vst v63  }
0xb: {  	[tilespmem:$0x1670] =	vst v0  }
0xc: {  	[tilespmem:$0x1660] =	vst v0  }
0xd: {  	[tilespmem:$0x1650] =	vst v0  }
0xe: {  	[tilespmem:$0x1640] =	vst v0  }
0xf: {  	[tilespmem:$0x1630] =	vst v0  }
0x10: {  	[tilespmem:$0x1620] =	vst v0  }
0x11: {  	[tilespmem:$0x1610] =	vst v0  }
0x12: {  	[tilespmem:$0x1600] =	vst v0  }
0x13: {  	[tilespmem:$0x15F0] =	vst v0  }
0x14: {  	[tilespmem:$0x15E0] =	vst v0  }
0x15: {  	s10 =	smul.u32 $0x2800, s6;
	s6 =	ssub.s32 $0x2, s6;
	[tilespmem:$0x15D0] =	vst v0  }
0x16: {  	s11 =	sshrl.u32 s6, $0x1;
	[tilespmem:$0x15C0] =	vst v0  }
0x17: {  	s6 =	ssub.s32 s6, s11;
	[tilespmem:$0x15B0] =	vst v0  }
0x18: {  	s15 =	smax.u32 s6, $0x1;
	[tilespmem:$0x15A0] =	vst v0  }
0x19: {  	s9 =	smul.u32 $0x280, s0;
	p0 =	sne.s32 s15, $0x1;
	[tilespmem:$0x1590] =	vst v0  }
.Ltmp0:
0x1a: {  	s14 =	simm.s32 $0x1400;
	[tilespmem:$0x1580] =	vst v0;
	(pc) =	sbr.rel @!p0 .LBB2_2-.Ltmp0, $4  }
0x1b: {  	s31 =	sshll.u32 s0, $0x6;
	s13 =	sadd.s32 s9, s2;
	s10 =	sadd.s32 s9, s10;
	[tilespmem:$0x1570] =	vst v0  }
0x1c: {  	s11 =	simm.s32 $0x9C0;
	s9 =	sor.u32 $0x1C02, s31;
	s10 =	sshrl.u32 s10, $0x3;
	[tilespmem:$0x1560] =	vst v0  }
0x1d: {  	s12 =	sshrl.u32 s13, $0x3;
	s6 =	simm.s32 $0x2;
	s5 =	sadd.s32 s10, s5;
	[tilespmem:$0x1550] =	vst v0  }
0x1e: {  	s10 =	simm.s32 $0x1;
	s15 =	sadd.s32 $0xFFFFFFFF, s15;
	s5 =	sadd.s32 $0x4000, s5;
	[tilespmem:$0x1540] =	vst v0  }
.LBB2_1:
0x1f: {  	p0 =	sne.s32 s15, $0x1;
	s15 =	sadd.s32 $0xFFFFFFFF, s15;
	[tilespmem:$0x1530] =	vst v0  }
0x20: {  	[tilespmem:$0x1520] =	vst v0  }
0x21: {  	[tilespmem:$0x1510] =	vst v0  }
0x22: {  	[tilespmem:$0x1500] =	vst v0  }
0x23: {  	[tilespmem:$0x14F0] =	vst v0  }
0x24: {  	[tilespmem:$0x14E0] =	vst v0  }
0x25: {  	[tilespmem:$0x14D0] =	vst v0  }
0x26: {  	[tilespmem:$0x14C0] =	vst v0  }
0x27: {  	[tilespmem:$0x14B0] =	vst v0  }
0x28: {  	[tilespmem:$0x14A0] =	vst v0  }
0x29: {  	[tilespmem:$0x1490] =	vst v0  }
0x2a: {  	[tilespmem:$0x1480] =	vst v0  }
0x2b: {  	[tilespmem:$0x1470] =	vst v0  }
0x2c: {  	[tilespmem:$0x1460] =	vst v0  }
0x2d: {  	[tilespmem:$0x1450] =	vst v0  }
0x2e: {  	[tilespmem:$0x1440] =	vst v0  }
0x2f: {  	[tilespmem:$0x1430] =	vst v0  }
0x30: {  	[tilespmem:$0x1420] =	vst v0  }
0x31: {  	[tilespmem:$0x1400] =	vst v0  }
0x32: {  	[tilespmem:$0x1410] =	vst v0  }
0x33: {  	[spmem:s13] =	stream.linear.scatter [tilespmem:s14], [sflag:$0x2], $0x280, $0x38;
	[tilespmem:$0x1900] =	vst v63  }
0x34: {  	_ =	swait.ge [sflag:s6], $0x280  }
0x35: {  	[sflag:s6] =	ssyncset.done $0x0  }
0x36: {  	[sflag:s6] =	ssyncadd.s32 $0xFFFFFD80  }
0x37: {  	_ =	swait.ge [sflag:s10], $0x9C0  }
0x38: {  	[sflag:s10] =	ssyncset.done $0x0  }
0x39: {  	[sflag:s10] =	ssyncadd.s32 $0xFFFFF640  }
0x3a: {  	_ =	swait.ge [sflag:s10], $0x9C0  }
0x3b: {  	[sflag:s10] =	ssyncset.done $0x0  }
0x3c: {  	[sflag:s10] =	ssyncadd.s32 $0xFFFFF640  }
0x3d: {  	[bflag:$0x0] =	sbarrier.arrive $0xFFFF  }
0x3e: {  	[spmem:s2] =	stream.indirect.scatter.add.f32 [tilespmem:s4], [sflag:$0x2], $0x1, s3, s11, $0xb8;
	[tilespmem:$0x1900] =	vst v63  }
0x3f: {  	_ =	swait.ge [sflag:s6], $0x9C0  }
0x40: {  	[sflag:s6] =	ssyncset.done $0x0  }
0x41: {  	[sflag:s6] =	ssyncadd.s32 $0xFFFFF640  }
0x42: {  	[bflag:$0x0] =	sbarrier.arrive $0xFFFF  }
0x43: {  	[hbm:s5], [sflag:s9] =	dma.local [spmem:s12], $0x50  }
0x44: {  	_ =	swait.ge [sflag:s6], $0x50  }
0x45: {  	[sflag:s6] =	ssyncset.done $0x0  }
0x46: {  	[sflag:s6] =	ssyncadd.s32 $0xFFFFFFB0  }
0x47: {  	[tilespmem:s3], [sflag:$0x1] =	stream.linear.gather [hbm4b:s7+s3], $0x9C0, $0x38;
	[tilespmem:$0x1900] =	vst v63  }
0x48: {  	_ = 	snop  }
0x49: {  	[tilespmem:s4], [sflag:$0x1] =	stream.linear.gather [hbm4b:s8+s3], $0x9C0, $0x38;
	[tilespmem:$0x1900] =	vst v63  }
0x4a: {  	[tilespmem:$0x1670] =	vst v0  }
0x4b: {  	[tilespmem:$0x1660] =	vst v0  }
0x4c: {  	[tilespmem:$0x1650] =	vst v0  }
0x4d: {  	[tilespmem:$0x1640] =	vst v0  }
0x4e: {  	[tilespmem:$0x1630] =	vst v0  }
0x4f: {  	[tilespmem:$0x1620] =	vst v0  }
0x50: {  	[tilespmem:$0x1610] =	vst v0  }
0x51: {  	[tilespmem:$0x1600] =	vst v0  }
0x52: {  	[tilespmem:$0x15F0] =	vst v0  }
0x53: {  	[tilespmem:$0x15E0] =	vst v0  }
0x54: {  	[tilespmem:$0x15D0] =	vst v0  }
0x55: {  	[tilespmem:$0x15C0] =	vst v0  }
0x56: {  	[tilespmem:$0x15B0] =	vst v0  }
0x57: {  	[tilespmem:$0x15A0] =	vst v0  }
0x58: {  	[tilespmem:$0x1590] =	vst v0  }
.Ltmp1:
0x59: {  	[tilespmem:$0x1580] =	vst v0;
	(pc) =	sbr.rel @p0 .LBB2_1-.Ltmp1, $4  }
0x5a: {  	[tilespmem:$0x1570] =	vst v0  }
0x5b: {  	[tilespmem:$0x1560] =	vst v0  }
0x5c: {  	[tilespmem:$0x1550] =	vst v0  }
0x5d: {  	[tilespmem:$0x1540] =	vst v0  }
.LBB2_2:
0x5e: {  	[tilespmem:$0x1530] =	vst v0  }
0x5f: {  	[tilespmem:$0x1520] =	vst v0  }
0x60: {  	[tilespmem:$0x1510] =	vst v0  }
0x61: {  	[tilespmem:$0x1500] =	vst v0  }
0x62: {  	[tilespmem:$0x14F0] =	vst v0  }
0x63: {  	[tilespmem:$0x14E0] =	vst v0  }
0x64: {  	[tilespmem:$0x14D0] =	vst v0  }
0x65: {  	[tilespmem:$0x14C0] =	vst v0  }
0x66: {  	[tilespmem:$0x14B0] =	vst v0  }
0x67: {  	[tilespmem:$0x14A0] =	vst v0  }
0x68: {  	[tilespmem:$0x1490] =	vst v0  }
0x69: {  	[tilespmem:$0x1480] =	vst v0  }
0x6a: {  	[tilespmem:$0x1470] =	vst v0  }
0x6b: {  	[tilespmem:$0x1460] =	vst v0  }
0x6c: {  	[tilespmem:$0x1450] =	vst v0  }
0x6d: {  	[tilespmem:$0x1440] =	vst v0  }
0x6e: {  	[tilespmem:$0x1430] =	vst v0  }
0x6f: {  	[tilespmem:$0x1420] =	vst v0  }
0x70: {  	[tilespmem:$0x1400] =	vst v0  }
0x71: {  	[tilespmem:$0x1410] =	vst v0  }
0x72: {  	[spmem:s13] =	stream.linear.scatter [tilespmem:s14], [sflag:$0x2], $0x280, $0x38;
	[tilespmem:$0x1900] =	vst v63  }
0x73: {  	_ =	swait.ge [sflag:s6], $0x280  }
0x74: {  	[sflag:s6] =	ssyncset.done $0x0  }
0x75: {  	[sflag:s6] =	ssyncadd.s32 $0xFFFFFD80  }
0x76: {  	_ =	swait.ge [sflag:s10], $0x9C0  }
0x77: {  	[sflag:s10] =	ssyncset.done $0x0  }
0x78: {  	[sflag:s10] =	ssyncadd.s32 $0xFFFFF640  }
0x79: {  	_ =	swait.ge [sflag:s10], $0x9C0  }
0x7a: {  	[sflag:s10] =	ssyncset.done $0x0  }
0x7b: {  	[sflag:s10] =	ssyncadd.s32 $0xFFFFF640  }
0x7c: {  	[bflag:$0x0] =	sbarrier.arrive $0xFFFF  }
0x7d: {  	[spmem:s2] =	stream.indirect.scatter.add.f32 [tilespmem:s4], [sflag:$0x2], $0x1, s3, s11, $0xb8;
	[tilespmem:$0x1900] =	vst v63  }
0x7e: {  	_ =	swait.ge [sflag:s6], $0x9C0  }
0x7f: {  	[sflag:s6] =	ssyncset.done $0x0  }
0x80: {  	[sflag:s6] =	ssyncadd.s32 $0xFFFFF640  }
0x81: {  	[bflag:$0x0] =	sbarrier.arrive $0xFFFF  }
0x82: {  	[hbm:s5], [sflag:s9] =	dma.local [spmem:s12], $0x50  }
0x83: {  	_ =	swait.ge [sflag:s6], $0x50  }
0x84: {  	[sflag:s6] =	ssyncset.done $0x0  }
0x85: {  	[sflag:s6] =	ssyncadd.s32 $0xFFFFFFB0  }
0x86: {  	_ =	sfence.sel $0x180000  }
0x87: {  	[bflag:$0x0] =	sbarrier.arrive $0xFFFF  }
0x88: {  	p0 =	sne.s32 s0, $0x0;
	_ =	strace $0x90000047  }
0x89: {  	s0 =	sadd.s32 @!p0 $0x100000, s1;
	[bflag:$0x2] =	sbarrier.arrive $0xFFFF  }
0x8a: {  	[sflag:s0] =	ssyncadd.tile.s32 @!p0 $0x1;
	_ =	shalt  }
.Lfunc_end2:
_tile_overlayer_lowered:
.L_overlay_start_2:
0x8b: {  	(tag) =	ssettag $0x2  }
0x8c: {  	s0 =	rddreg [dreg:$0x0];
	s2 =	stileid.u32  }
0x8d: {  	s1 =	rddreg [dreg:$0x1];
	p0 =	sne.s32 s2, $0x0  }
0x8e: {  	s3 =	rddreg [dreg:$0x2];
	[bflag:$0x3] =	sbarrier.arrive $0xFFFF;
	s2 =	simm.s32 @!p0 $0x1C02  }
0x8f: {  	[timem:s3], [sflag:s2] =	dma.local @!p0 [hbm:s0], s1  }
0x90: {  	s0 =	simm.s32 @!p0 $0x2  }
0x91: {  	_ =	swait.ge @!p0 [sflag:s0], s1  }
0x92: {  	s1 =	ssub.s32 @!p0 $0x0, s1;
	[sflag:s0] =	ssyncset.done @!p0 $0x0  }
0x93: {  	[sflag:s0] =	ssyncadd.s32 @!p0 s1  }
0x94: {  	[bflag:$0x3] =	sbarrier.arrive $0xFFFF  }
0x95: {  	_ =	shalt  }

</sc_bundles>
